<compile_context>
chip_gen: v7x
topology: tpu7x:2x2x1
jax: 0.10.2.dev20260603
libtpu: 0.0.44.dev20260713+nightly
codegen_flags: <defaults>
</compile_context>

<pallas_src>
import functools

import jax
import jax.numpy as jnp
from jax import lax
from jax.experimental import pallas as pl
from jax.experimental.pallas import tpu as pltpu
from jax.experimental.pallas import tpu_sc as plsc

VOCAB = 100
HIDDEN = 2048
HALF = HIDDEN // 2
PRE = 16
BATCH = 4
SEQ = 2048
ROWS_PER_BATCH = PRE + SEQ
TOTAL_ROWS = BATCH * ROWS_PER_BATCH
TOKENS = BATCH * SEQ

NC = 2
NS = 16
TOK_PER_T = TOKENS // NS
CK = 8
NCHUNK = TOK_PER_T // CK
LANES = 16
VPT = HALF // LANES

_mesh = plsc.VectorSubcoreMesh(core_axis_name="c", subcore_axis_name="s")


@functools.partial(
    pl.kernel,
    mesh=_mesh,
    out_type=jax.ShapeDtypeStruct((TOTAL_ROWS, HIDDEN), jnp.float32),
    scratch_types=[
        pltpu.SMEM((TOK_PER_T,), jnp.int32),
        pltpu.VMEM_SHARED((TOKENS,), jnp.int32),
        pltpu.VMEM((VOCAB, HALF), jnp.float32),
        pltpu.VMEM((CK, HALF), jnp.float32),
        pltpu.VMEM((CK, HALF), jnp.float32),
        pltpu.SemaphoreType.DMA,
        pltpu.SemaphoreType.DMA,
        pltpu.SemaphoreType.DMA,
    ],
)
def _embed_sc(ids_hbm, tab0_hbm, tab1_hbm, pr0_hbm, pr1_hbm, out_hbm,
              ids_s, ids_sh, table_v, stage0, stage1,
              sem0, sem1, psem):
    c = lax.axis_index("c")
    s = lax.axis_index("s")
    wid = s * NC + c
    cofs = c * HALF
    tok_base = s * TOK_PER_T
    row_base = (s // 4) * ROWS_PER_BATCH + PRE + (s % 4) * TOK_PER_T

    @pl.when(c == 0)
    def _():
        pltpu.sync_copy(tab0_hbm, table_v)

    @pl.when(c == 1)
    def _():
        pltpu.sync_copy(tab1_hbm, table_v)

    pltpu.sync_copy(ids_hbm.at[pl.ds(tok_base, TOK_PER_T)],
                    ids_sh.at[pl.ds(tok_base, TOK_PER_T)])
    pltpu.sync_copy(ids_sh.at[pl.ds(tok_base, TOK_PER_T)], ids_s)

    pb = wid // 4
    ph = (wid % 4) // 2
    pr = (wid % 2) * CK

    @pl.when(wid < 4 * BATCH)
    def _():
        @pl.when(ph == 0)
        def _():
            pltpu.async_copy(pr0_hbm.at[pl.ds(pr, CK)], stage0, psem).wait()

        @pl.when(ph == 1)
        def _():
            pltpu.async_copy(pr1_hbm.at[pl.ds(pr, CK)], stage0, psem).wait()

        pltpu.async_copy(
            stage0,
            out_hbm.at[pl.ds(pb * ROWS_PER_BATCH + pr, CK),
                       pl.ds(ph * HALF, HALF)], psem).wait()

    stages = (stage0, stage1)
    sems = (sem0, sem1)

    def _fill(stage, chunk):
        @plsc.parallel_loop(0, CK, 1, unroll=4)
        def _(t):
            idx = ids_s[chunk * CK + t]

            @plsc.parallel_loop(0, VPT, 1, unroll=8)
            def _(k):
                stage[t, pl.ds(k * LANES, LANES)] = (
                    table_v[idx, pl.ds(k * LANES, LANES)])

    def _write(stage, sem, chunk):
        return pltpu.async_copy(
            stage,
            out_hbm.at[pl.ds(row_base + chunk * CK, CK), pl.ds(cofs, HALF)],
            sem)

    _fill(stage0, 0)
    _write(stage0, sem0, 0)
    _fill(stage1, 1)
    _write(stage1, sem1, 1)

    def _body(i, carry):
        for b in range(2):
            chunk = i * 2 + b
            pltpu.make_async_copy(
                stages[b],
                out_hbm.at[pl.ds(row_base, CK), pl.ds(cofs, HALF)],
                sems[b]).wait()
            _fill(stages[b], chunk)
            _write(stages[b], sems[b], chunk)
        return carry

    lax.fori_loop(1, NCHUNK // 2, _body, 0)

    for b in range(2):
        pltpu.make_async_copy(
            stages[b],
            out_hbm.at[pl.ds(row_base, CK), pl.ds(cofs, HALF)],
            sems[b]).wait()


def kernel(input_ids, word_emb, prompt_emb):
    ids = jnp.asarray(input_ids, jnp.int32).reshape(-1)
    tab0 = word_emb[:, :HALF]
    tab1 = word_emb[:, HALF:]
    pr0 = prompt_emb[:, :HALF]
    pr1 = prompt_emb[:, HALF:]
    out = _embed_sc(ids, tab0, tab1, pr0, pr1)
    return out.reshape(BATCH, ROWS_PER_BATCH, HIDDEN)

# --- scband reference (transcript-rebuilt; emitter-appended) ---
"""Pipeline reference for scband-dummy-model-19138374271097 (READ-ONLY COPY).

The authoritative reference and input builder live on the scoring server;
editing this copy changes nothing except your own understanding.
"""

import jax, jax.numpy as jnp
import numpy as np

VOCAB = 100
HIDDEN = 2048
PRE_SEQ_LEN = 16
BATCH = 4
SEQ_LEN = 2048


def setup_inputs(seed: int = 0) -> dict:
    key = jax.random.key(seed)
    k1, k2, k3 = jax.random.split(key, 3)
    input_ids = jax.random.randint(k1, (BATCH, SEQ_LEN), 0, VOCAB, dtype=jnp.int64 if jax.config.jax_enable_x64 else jnp.int32)
    word_emb = jax.random.normal(k2, (VOCAB, HIDDEN), dtype=jnp.float32) * 0.02
    prompt_emb = jax.random.normal(k3, (PRE_SEQ_LEN, HIDDEN), dtype=jnp.float32) * 0.02
    return {"input_ids": input_ids, "word_emb": word_emb, "prompt_emb": prompt_emb}


def reference(input_ids, word_emb, prompt_emb):
    # DummyModel.forward (petals ptune semantics): embed tokens with the word
    # embedding table, then prepend the learned p-tuning prompts to every
    # sequence in the batch (PTuneMixin.get_prompt expands prompts over batch).
    batch_size = input_ids.shape[0]
    embeds = jnp.take(word_emb, input_ids, axis=0)  # [B, S, H] gather
    prompts = jnp.broadcast_to(prompt_emb[None, :, :], (batch_size, prompt_emb.shape[0], prompt_emb.shape[1]))
    return jnp.concatenate([prompts, embeds], axis=1)  # [B, pre_seq_len + S, H]

if __name__ == "__main__":
    import jax
    _d = setup_inputs()
    print(jax.jit(kernel)(*tuple(_d.values())))

</pallas_src>

<mosaic_0001>
#map = affine_map<(d0, d1) -> (0)>
#map1 = affine_map<(d0, d1) -> (0, 0)>
module attributes {stable_mosaic.version = 14 : i64} {
  func.func @_embed_sc(%arg0: i32, %arg1: i32, %arg2: memref<8192xi32, #tpu.memory_space<hbm>>, %arg3: memref<100x1024xf32, #tpu.memory_space<hbm>>, %arg4: memref<100x1024xf32, #tpu.memory_space<hbm>>, %arg5: memref<16x1024xf32, #tpu.memory_space<hbm>>, %arg6: memref<16x1024xf32, #tpu.memory_space<hbm>>, %arg7: memref<8256x2048xf32, #tpu.memory_space<hbm>>, %arg8: memref<512xi32, #tpu.memory_space<smem>>, %arg9: memref<8192xi32, #tpu.memory_space<vmem_shared>>, %arg10: memref<100x1024xf32, #tpu.memory_space<vmem>>, %arg11: memref<8x1024xf32, #tpu.memory_space<vmem>>, %arg12: memref<8x1024xf32, #tpu.memory_space<vmem>>, %arg13: memref<!tpu.dma_semaphore, #tpu.memory_space<semaphore_mem>>, %arg14: memref<!tpu.dma_semaphore, #tpu.memory_space<semaphore_mem>>, %arg15: memref<!tpu.dma_semaphore, #tpu.memory_space<semaphore_mem>>) attributes {dimension_semantics = [#tpu.dimension_semantics<core_parallel>, #tpu.dimension_semantics<subcore_parallel>], iteration_bounds = array<i64: 2, 16>, scalar_prefetch = 0 : i64, scratch_operands = 8 : i64, tpu.core_type = #tpu.core_type<sc_vector_subcore>, window_params = [{transform_indices = #map}, {transform_indices = #map1}, {transform_indices = #map1}, {transform_indices = #map1}, {transform_indices = #map1}, {transform_indices = #map1}]} {
    %mul3A = arith.constant 2 : i32
    %mul3A_0 = arith.muli %arg1, %mul3A : i32
    %add3A = arith.addi %mul3A_0, %arg0 : i32
    %mul3A_1 = arith.constant 1024 : i32
    %mul3A_2 = arith.muli %arg0, %mul3A_1 : i32
    %mul3A_3 = arith.constant 512 : i32
    %mul3A_4 = arith.muli %arg1, %mul3A_3 : i32
    %jit3A = arith.constant 4 : i32
    %div3A = arith.divsi %arg1, %jit3A : i32
    %sign3A = arith.constant 0 : i32
    %sign3A_5 = arith.cmpi sgt, %arg1, %sign3A : i32
    %sign3A_6 = arith.extui %sign3A_5 : i1 to i32
    %sign3A_7 = arith.constant 0 : i32
    %sign3A_8 = arith.cmpi slt, %arg1, %sign3A_7 : i32
    %sign3A_9 = arith.extui %sign3A_8 : i1 to i32
    %sign3A_10 = arith.subi %sign3A_6, %sign3A_9 : i32
    %sign3A_11 = arith.constant 0 : i32
    %sign3A_12 = arith.cmpi sgt, %jit3A, %sign3A_11 : i32
    %sign3A_13 = arith.extui %sign3A_12 : i1 to i32
    %sign3A_14 = arith.constant 0 : i32
    %sign3A_15 = arith.cmpi slt, %jit3A, %sign3A_14 : i32
    %sign3A_16 = arith.extui %sign3A_15 : i1 to i32
    %sign3A_17 = arith.subi %sign3A_13, %sign3A_16 : i32
    %ne3A = arith.cmpi ne, %sign3A_10, %sign3A_17 : i32
    %rem3A = arith.remsi %arg1, %jit3A : i32
    %ne3A_18 = arith.constant 0 : i32
    %ne3A_19 = arith.cmpi ne, %rem3A, %ne3A_18 : i32
    %and3A = arith.andi %ne3A, %ne3A_19 : i1
    %sub3A = arith.constant 1 : i32
    %sub3A_20 = arith.subi %div3A, %sub3A : i32
    %select_n3A = arith.select %and3A, %sub3A_20, %div3A : i32
    %mul3A_21 = arith.constant 2064 : i32
    %mul3A_22 = arith.muli %select_n3A, %mul3A_21 : i32
    %add3A_23 = arith.constant 16 : i32
    %add3A_24 = arith.addi %mul3A_22, %add3A_23 : i32
    %jit3A_25 = arith.constant 4 : i32
    %eq3A = arith.constant 0 : i32
    %eq3A_26 = arith.cmpi eq, %jit3A_25, %eq3A : i32
    %jit3A_27 = arith.constant 1 : i32
    %select_n3A_28 = arith.select %eq3A_26, %jit3A_27, %jit3A_25 : i32
    %rem3A_29 = arith.remsi %arg1, %select_n3A_28 : i32
    %ne3A_30 = arith.constant 0 : i32
    %ne3A_31 = arith.cmpi ne, %rem3A_29, %ne3A_30 : i32
    %lt3A = arith.constant 0 : i32
    %lt3A_32 = arith.cmpi slt, %rem3A_29, %lt3A : i32
    %lt3A_33 = arith.constant 0 : i32
    %lt3A_34 = arith.cmpi slt, %select_n3A_28, %lt3A_33 : i32
    %ne3A_35 = arith.xori %lt3A_32, %lt3A_34 : i1
    %and3A_36 = arith.andi %ne3A_35, %ne3A_31 : i1
    %add3A_37 = arith.addi %rem3A_29, %select_n3A_28 : i32
    %select_n3A_38 = arith.select %and3A_36, %add3A_37, %rem3A_29 : i32
    %mul3A_39 = arith.constant 512 : i32
    %mul3A_40 = arith.muli %select_n3A_38, %mul3A_39 : i32
    %add3A_41 = arith.addi %add3A_24, %mul3A_40 : i32
    %eq3A_42 = arith.constant 0 : i32
    %eq3A_43 = arith.cmpi eq, %arg0, %eq3A_42 : i32
    %convert_element_type3A = arith.extui %eq3A_43 : i1 to i32
    %cond3A = arith.constant 0 : i32
    %cond3A_44 = arith.cmpi ne, %convert_element_type3A, %cond3A : i32
    scf.if %cond3A_44 {
      "tpu.region"() ({
        %run_scoped3A = tpu.sem_alloc : memref<!tpu.dma_semaphore, #tpu.memory_space<semaphore_mem>>
        tpu.enqueue_dma source(%arg3 : memref<100x1024xf32, #tpu.memory_space<hbm>>) target(%arg10 : memref<100x1024xf32, #tpu.memory_space<vmem>>) target_semaphore(%run_scoped3A : memref<!tpu.dma_semaphore, #tpu.memory_space<semaphore_mem>>)
        tpu.wait_dma2 semaphore(%run_scoped3A : memref<!tpu.dma_semaphore, #tpu.memory_space<semaphore_mem>>) src(%arg3 : memref<100x1024xf32, #tpu.memory_space<hbm>>) dst(%arg10 : memref<100x1024xf32, #tpu.memory_space<vmem>>)
        tpu.yield
      }) : () -> ()
    } else {
    }
    %eq3A_45 = arith.constant 1 : i32
    %eq3A_46 = arith.cmpi eq, %arg0, %eq3A_45 : i32
    %convert_element_type3A_47 = arith.extui %eq3A_46 : i1 to i32
    %cond3A_48 = arith.constant 0 : i32
    %cond3A_49 = arith.cmpi ne, %convert_element_type3A_47, %cond3A_48 : i32
    scf.if %cond3A_49 {
      "tpu.region"() ({
        %run_scoped3A = tpu.sem_alloc : memref<!tpu.dma_semaphore, #tpu.memory_space<semaphore_mem>>
        tpu.enqueue_dma source(%arg4 : memref<100x1024xf32, #tpu.memory_space<hbm>>) target(%arg10 : memref<100x1024xf32, #tpu.memory_space<vmem>>) target_semaphore(%run_scoped3A : memref<!tpu.dma_semaphore, #tpu.memory_space<semaphore_mem>>)
        tpu.wait_dma2 semaphore(%run_scoped3A : memref<!tpu.dma_semaphore, #tpu.memory_space<semaphore_mem>>) src(%arg4 : memref<100x1024xf32, #tpu.memory_space<hbm>>) dst(%arg10 : memref<100x1024xf32, #tpu.memory_space<vmem>>)
        tpu.yield
      }) : () -> ()
    } else {
    }
    "tpu.region"() ({
      %run_scoped3A = tpu.sem_alloc : memref<!tpu.dma_semaphore, #tpu.memory_space<semaphore_mem>>
      %dma_start3A_157 = tpu.memref_slice %arg9[%mul3A_4] : memref<8192xi32, #tpu.memory_space<vmem_shared>> -> memref<512xi32, #tpu.memory_space<vmem_shared>>
      %dma_start3A_158 = tpu.memref_slice %arg2[%mul3A_4] : memref<8192xi32, #tpu.memory_space<hbm>> -> memref<512xi32, #tpu.memory_space<hbm>>
      tpu.enqueue_dma source(%dma_start3A_158 : memref<512xi32, #tpu.memory_space<hbm>>) target(%dma_start3A_157 : memref<512xi32, #tpu.memory_space<vmem_shared>>) target_semaphore(%run_scoped3A : memref<!tpu.dma_semaphore, #tpu.memory_space<semaphore_mem>>)
      %dma_wait3A_159 = tpu.memref_slice %arg9[%mul3A_4] : memref<8192xi32, #tpu.memory_space<vmem_shared>> -> memref<512xi32, #tpu.memory_space<vmem_shared>>
      %dma_wait3A_160 = tpu.memref_slice %arg2[%mul3A_4] : memref<8192xi32, #tpu.memory_space<hbm>> -> memref<512xi32, #tpu.memory_space<hbm>>
      tpu.wait_dma2 semaphore(%run_scoped3A : memref<!tpu.dma_semaphore, #tpu.memory_space<semaphore_mem>>) src(%dma_wait3A_160 : memref<512xi32, #tpu.memory_space<hbm>>) dst(%dma_wait3A_159 : memref<512xi32, #tpu.memory_space<vmem_shared>>)
      tpu.yield
    }) : () -> ()
    "tpu.region"() ({
      %run_scoped3A = tpu.sem_alloc : memref<!tpu.dma_semaphore, #tpu.memory_space<semaphore_mem>>
      %dma_start3A_157 = tpu.memref_slice %arg9[%mul3A_4] : memref<8192xi32, #tpu.memory_space<vmem_shared>> -> memref<512xi32, #tpu.memory_space<vmem_shared>>
      tpu.enqueue_dma source(%dma_start3A_157 : memref<512xi32, #tpu.memory_space<vmem_shared>>) target(%arg8 : memref<512xi32, #tpu.memory_space<smem>>) target_semaphore(%run_scoped3A : memref<!tpu.dma_semaphore, #tpu.memory_space<semaphore_mem>>)
      %dma_wait3A_158 = tpu.memref_slice %arg9[%mul3A_4] : memref<8192xi32, #tpu.memory_space<vmem_shared>> -> memref<512xi32, #tpu.memory_space<vmem_shared>>
      tpu.wait_dma2 semaphore(%run_scoped3A : memref<!tpu.dma_semaphore, #tpu.memory_space<semaphore_mem>>) src(%dma_wait3A_158 : memref<512xi32, #tpu.memory_space<vmem_shared>>) dst(%arg8 : memref<512xi32, #tpu.memory_space<smem>>)
      tpu.yield
    }) : () -> ()
    %jit3A_50 = arith.constant 4 : i32
    %div3A_51 = arith.divsi %add3A, %jit3A_50 : i32
    %sign3A_52 = arith.constant 0 : i32
    %sign3A_53 = arith.cmpi sgt, %add3A, %sign3A_52 : i32
    %sign3A_54 = arith.extui %sign3A_53 : i1 to i32
    %sign3A_55 = arith.constant 0 : i32
    %sign3A_56 = arith.cmpi slt, %add3A, %sign3A_55 : i32
    %sign3A_57 = arith.extui %sign3A_56 : i1 to i32
    %sign3A_58 = arith.subi %sign3A_54, %sign3A_57 : i32
    %sign3A_59 = arith.constant 0 : i32
    %sign3A_60 = arith.cmpi sgt, %jit3A_50, %sign3A_59 : i32
    %sign3A_61 = arith.extui %sign3A_60 : i1 to i32
    %sign3A_62 = arith.constant 0 : i32
    %sign3A_63 = arith.cmpi slt, %jit3A_50, %sign3A_62 : i32
    %sign3A_64 = arith.extui %sign3A_63 : i1 to i32
    %sign3A_65 = arith.subi %sign3A_61, %sign3A_64 : i32
    %ne3A_66 = arith.cmpi ne, %sign3A_58, %sign3A_65 : i32
    %rem3A_67 = arith.remsi %add3A, %jit3A_50 : i32
    %ne3A_68 = arith.constant 0 : i32
    %ne3A_69 = arith.cmpi ne, %rem3A_67, %ne3A_68 : i32
    %and3A_70 = arith.andi %ne3A_66, %ne3A_69 : i1
    %sub3A_71 = arith.constant 1 : i32
    %sub3A_72 = arith.subi %div3A_51, %sub3A_71 : i32
    %select_n3A_73 = arith.select %and3A_70, %sub3A_72, %div3A_51 : i32
    %jit3A_74 = arith.constant 4 : i32
    %eq3A_75 = arith.constant 0 : i32
    %eq3A_76 = arith.cmpi eq, %jit3A_74, %eq3A_75 : i32
    %jit3A_77 = arith.constant 1 : i32
    %select_n3A_78 = arith.select %eq3A_76, %jit3A_77, %jit3A_74 : i32
    %rem3A_79 = arith.remsi %add3A, %select_n3A_78 : i32
    %ne3A_80 = arith.constant 0 : i32
    %ne3A_81 = arith.cmpi ne, %rem3A_79, %ne3A_80 : i32
    %lt3A_82 = arith.constant 0 : i32
    %lt3A_83 = arith.cmpi slt, %rem3A_79, %lt3A_82 : i32
    %lt3A_84 = arith.constant 0 : i32
    %lt3A_85 = arith.cmpi slt, %select_n3A_78, %lt3A_84 : i32
    %ne3A_86 = arith.xori %lt3A_83, %lt3A_85 : i1
    %and3A_87 = arith.andi %ne3A_86, %ne3A_81 : i1
    %add3A_88 = arith.addi %rem3A_79, %select_n3A_78 : i32
    %select_n3A_89 = arith.select %and3A_87, %add3A_88, %rem3A_79 : i32
    %jit3A_90 = arith.constant 2 : i32
    %div3A_91 = arith.divsi %select_n3A_89, %jit3A_90 : i32
    %sign3A_92 = arith.constant 0 : i32
    %sign3A_93 = arith.cmpi sgt, %select_n3A_89, %sign3A_92 : i32
    %sign3A_94 = arith.extui %sign3A_93 : i1 to i32
    %sign3A_95 = arith.constant 0 : i32
    %sign3A_96 = arith.cmpi slt, %select_n3A_89, %sign3A_95 : i32
    %sign3A_97 = arith.extui %sign3A_96 : i1 to i32
    %sign3A_98 = arith.subi %sign3A_94, %sign3A_97 : i32
    %sign3A_99 = arith.constant 0 : i32
    %sign3A_100 = arith.cmpi sgt, %jit3A_90, %sign3A_99 : i32
    %sign3A_101 = arith.extui %sign3A_100 : i1 to i32
    %sign3A_102 = arith.constant 0 : i32
    %sign3A_103 = arith.cmpi slt, %jit3A_90, %sign3A_102 : i32
    %sign3A_104 = arith.extui %sign3A_103 : i1 to i32
    %sign3A_105 = arith.subi %sign3A_101, %sign3A_104 : i32
    %ne3A_106 = arith.cmpi ne, %sign3A_98, %sign3A_105 : i32
    %rem3A_107 = arith.remsi %select_n3A_89, %jit3A_90 : i32
    %ne3A_108 = arith.constant 0 : i32
    %ne3A_109 = arith.cmpi ne, %rem3A_107, %ne3A_108 : i32
    %and3A_110 = arith.andi %ne3A_106, %ne3A_109 : i1
    %sub3A_111 = arith.constant 1 : i32
    %sub3A_112 = arith.subi %div3A_91, %sub3A_111 : i32
    %select_n3A_113 = arith.select %and3A_110, %sub3A_112, %div3A_91 : i32
    %jit3A_114 = arith.constant 2 : i32
    %eq3A_115 = arith.constant 0 : i32
    %eq3A_116 = arith.cmpi eq, %jit3A_114, %eq3A_115 : i32
    %jit3A_117 = arith.constant 1 : i32
    %select_n3A_118 = arith.select %eq3A_116, %jit3A_117, %jit3A_114 : i32
    %rem3A_119 = arith.remsi %add3A, %select_n3A_118 : i32
    %ne3A_120 = arith.constant 0 : i32
    %ne3A_121 = arith.cmpi ne, %rem3A_119, %ne3A_120 : i32
    %lt3A_122 = arith.constant 0 : i32
    %lt3A_123 = arith.cmpi slt, %rem3A_119, %lt3A_122 : i32
    %lt3A_124 = arith.constant 0 : i32
    %lt3A_125 = arith.cmpi slt, %select_n3A_118, %lt3A_124 : i32
    %ne3A_126 = arith.xori %lt3A_123, %lt3A_125 : i1
    %and3A_127 = arith.andi %ne3A_126, %ne3A_121 : i1
    %add3A_128 = arith.addi %rem3A_119, %select_n3A_118 : i32
    %select_n3A_129 = arith.select %and3A_127, %add3A_128, %rem3A_119 : i32
    %mul3A_130 = arith.constant 8 : i32
    %mul3A_131 = arith.muli %select_n3A_129, %mul3A_130 : i32
    %lt3A_132 = arith.constant 16 : i32
    %lt3A_133 = arith.cmpi slt, %add3A, %lt3A_132 : i32
    %convert_element_type3A_134 = arith.extui %lt3A_133 : i1 to i32
    %cond3A_135 = arith.constant 0 : i32
    %cond3A_136 = arith.cmpi ne, %convert_element_type3A_134, %cond3A_135 : i32
    scf.if %cond3A_136 {
      %eq3A_157 = arith.constant 0 : i32
      %eq3A_158 = arith.cmpi eq, %select_n3A_113, %eq3A_157 : i32
      %convert_element_type3A_159 = arith.extui %eq3A_158 : i1 to i32
      %cond3A_160 = arith.constant 0 : i32
      %cond3A_161 = arith.cmpi ne, %convert_element_type3A_159, %cond3A_160 : i32
      scf.if %cond3A_161 {
        %dma_start3A_176 = arith.constant 0 : i32
        %dma_start3A_177 = tpu.memref_slice %arg5[%mul3A_131, %dma_start3A_176] : memref<16x1024xf32, #tpu.memory_space<hbm>> -> memref<8x1024xf32, #tpu.memory_space<hbm>>
        %dma_start3A_178 = arith.constant 0 : i32
        %dma_start3A_179 = tpu.memref_slice %arg5[%mul3A_131, %dma_start3A_178] : memref<16x1024xf32, #tpu.memory_space<hbm>> -> memref<8x1024xf32, #tpu.memory_space<hbm>>
        tpu.enqueue_dma source(%dma_start3A_179 : memref<8x1024xf32, #tpu.memory_space<hbm>>) target(%arg11 : memref<8x1024xf32, #tpu.memory_space<vmem>>) target_semaphore(%arg15 : memref<!tpu.dma_semaphore, #tpu.memory_space<semaphore_mem>>)
        %dma_wait3A_180 = arith.constant 0 : i32
        %dma_wait3A_181 = tpu.memref_slice %arg5[%mul3A_131, %dma_wait3A_180] : memref<16x1024xf32, #tpu.memory_space<hbm>> -> memref<8x1024xf32, #tpu.memory_space<hbm>>
        %dma_wait3A_182 = arith.constant 0 : i32
        %dma_wait3A_183 = tpu.memref_slice %arg5[%mul3A_131, %dma_wait3A_182] : memref<16x1024xf32, #tpu.memory_space<hbm>> -> memref<8x1024xf32, #tpu.memory_space<hbm>>
        tpu.wait_dma2 semaphore(%arg15 : memref<!tpu.dma_semaphore, #tpu.memory_space<semaphore_mem>>) src(%dma_wait3A_183 : memref<8x1024xf32, #tpu.memory_space<hbm>>) dst(%arg11 : memref<8x1024xf32, #tpu.memory_space<vmem>>)
      } else {
      }
      %eq3A_162 = arith.constant 1 : i32
      %eq3A_163 = arith.cmpi eq, %select_n3A_113, %eq3A_162 : i32
      %convert_element_type3A_164 = arith.extui %eq3A_163 : i1 to i32
      %cond3A_165 = arith.constant 0 : i32
      %cond3A_166 = arith.cmpi ne, %convert_element_type3A_164, %cond3A_165 : i32
      scf.if %cond3A_166 {
        %dma_start3A_176 = arith.constant 0 : i32
        %dma_start3A_177 = tpu.memref_slice %arg6[%mul3A_131, %dma_start3A_176] : memref<16x1024xf32, #tpu.memory_space<hbm>> -> memref<8x1024xf32, #tpu.memory_space<hbm>>
        %dma_start3A_178 = arith.constant 0 : i32
        %dma_start3A_179 = tpu.memref_slice %arg6[%mul3A_131, %dma_start3A_178] : memref<16x1024xf32, #tpu.memory_space<hbm>> -> memref<8x1024xf32, #tpu.memory_space<hbm>>
        tpu.enqueue_dma source(%dma_start3A_179 : memref<8x1024xf32, #tpu.memory_space<hbm>>) target(%arg11 : memref<8x1024xf32, #tpu.memory_space<vmem>>) target_semaphore(%arg15 : memref<!tpu.dma_semaphore, #tpu.memory_space<semaphore_mem>>)
        %dma_wait3A_180 = arith.constant 0 : i32
        %dma_wait3A_181 = tpu.memref_slice %arg6[%mul3A_131, %dma_wait3A_180] : memref<16x1024xf32, #tpu.memory_space<hbm>> -> memref<8x1024xf32, #tpu.memory_space<hbm>>
        %dma_wait3A_182 = arith.constant 0 : i32
        %dma_wait3A_183 = tpu.memref_slice %arg6[%mul3A_131, %dma_wait3A_182] : memref<16x1024xf32, #tpu.memory_space<hbm>> -> memref<8x1024xf32, #tpu.memory_space<hbm>>
        tpu.wait_dma2 semaphore(%arg15 : memref<!tpu.dma_semaphore, #tpu.memory_space<semaphore_mem>>) src(%dma_wait3A_183 : memref<8x1024xf32, #tpu.memory_space<hbm>>) dst(%arg11 : memref<8x1024xf32, #tpu.memory_space<vmem>>)
      } else {
      }
      %mul3A_167 = arith.constant 2064 : i32
      %mul3A_168 = arith.muli %select_n3A_73, %mul3A_167 : i32
      %add3A_169 = arith.addi %mul3A_168, %mul3A_131 : i32
      %mul3A_170 = arith.constant 1024 : i32
      %mul3A_171 = arith.muli %select_n3A_113, %mul3A_170 : i32
      %dma_start3A_172 = tpu.memref_slice %arg7[%add3A_169, %mul3A_171] : memref<8256x2048xf32, #tpu.memory_space<hbm>> -> memref<8x1024xf32, #tpu.memory_space<hbm>>
      %dma_start3A_173 = tpu.memref_slice %arg7[%add3A_169, %mul3A_171] : memref<8256x2048xf32, #tpu.memory_space<hbm>> -> memref<8x1024xf32, #tpu.memory_space<hbm>>
      tpu.enqueue_dma source(%arg11 : memref<8x1024xf32, #tpu.memory_space<vmem>>) target(%dma_start3A_173 : memref<8x1024xf32, #tpu.memory_space<hbm>>) target_semaphore(%arg15 : memref<!tpu.dma_semaphore, #tpu.memory_space<semaphore_mem>>)
      %dma_wait3A_174 = tpu.memref_slice %arg7[%add3A_169, %mul3A_171] : memref<8256x2048xf32, #tpu.memory_space<hbm>> -> memref<8x1024xf32, #tpu.memory_space<hbm>>
      %dma_wait3A_175 = tpu.memref_slice %arg7[%add3A_169, %mul3A_171] : memref<8256x2048xf32, #tpu.memory_space<hbm>> -> memref<8x1024xf32, #tpu.memory_space<hbm>>
      tpu.wait_dma2 semaphore(%arg15 : memref<!tpu.dma_semaphore, #tpu.memory_space<semaphore_mem>>) src(%arg11 : memref<8x1024xf32, #tpu.memory_space<vmem>>) dst(%dma_wait3A_175 : memref<8x1024xf32, #tpu.memory_space<hbm>>)
    } else {
    }
    %parallel_loop3A = arith.constant 0 : i32
    %parallel_loop3A_137 = arith.constant 8 : i32
    %parallel_loop3A_138 = arith.constant 1 : i32
    scf.for %parallel_loop3A_157 = %parallel_loop3A to %parallel_loop3A_137 step %parallel_loop3A_138  : i32 {
      %parallel_loop3A_158 = arith.constant 0 : i32
      %parallel_loop3A_159 = arith.addi %parallel_loop3A_158, %parallel_loop3A_157 : i32
      %parallel_loop3A_160 = arith.index_cast %parallel_loop3A_159 : i32 to index
      %parallel_loop3A_161 = memref.load %arg8[%parallel_loop3A_160] : memref<512xi32, #tpu.memory_space<smem>>
      %parallel_loop3A_162 = arith.constant 0 : i32
      %parallel_loop3A_163 = arith.constant 64 : i32
      %parallel_loop3A_164 = arith.constant 1 : i32
      scf.for %parallel_loop3A_165 = %parallel_loop3A_162 to %parallel_loop3A_163 step %parallel_loop3A_164  : i32 {
        %parallel_loop3A_166 = arith.constant 16 : i32
        %parallel_loop3A_167 = arith.muli %parallel_loop3A_165, %parallel_loop3A_166 : i32
        %parallel_loop3A_168 = arith.index_cast %parallel_loop3A_161 : i32 to index
        %parallel_loop3A_169 = arith.index_cast %parallel_loop3A_167 : i32 to index
        %parallel_loop3A_170 = tpu.vector_load %arg10[%parallel_loop3A_168, %parallel_loop3A_169] {strides = array<i32>} : memref<100x1024xf32, #tpu.memory_space<vmem>>, vector<1x16xf32>,
        %parallel_loop3A_171 = vector.shape_cast %parallel_loop3A_170 : vector<1x16xf32> to vector<16xf32>
        %parallel_loop3A_172 = arith.constant 16 : i32
        %parallel_loop3A_173 = arith.muli %parallel_loop3A_165, %parallel_loop3A_172 : i32
        %parallel_loop3A_174 = arith.index_cast %parallel_loop3A_157 : i32 to index
        %parallel_loop3A_175 = arith.index_cast %parallel_loop3A_173 : i32 to index
        %parallel_loop3A_176 = tpu.vector_load %arg11[%parallel_loop3A_174, %parallel_loop3A_175] {strides = array<i32>} : memref<8x1024xf32, #tpu.memory_space<vmem>>, vector<1x16xf32>,
        %parallel_loop3A_177 = vector.shape_cast %parallel_loop3A_176 : vector<1x16xf32> to vector<16xf32>
        %parallel_loop3A_178 = vector.shape_cast %parallel_loop3A_171 : vector<16xf32> to vector<1x16xf32>
        tpu.vector_store %arg11[%parallel_loop3A_174, %parallel_loop3A_175], %parallel_loop3A_178 {strides = array<i32>} : memref<8x1024xf32, #tpu.memory_space<vmem>>, vector<1x16xf32>,
      } {sc.loop_unroll_factor = 8 : i64, sc.parallel_access}
    } {sc.loop_unroll_factor = 4 : i64, sc.parallel_access}
    %add3A_139 = arith.constant 0 : i32
    %add3A_140 = arith.addi %add3A_41, %add3A_139 : i32
    %dma_start3A = tpu.memref_slice %arg7[%add3A_140, %mul3A_2] : memref<8256x2048xf32, #tpu.memory_space<hbm>> -> memref<8x1024xf32, #tpu.memory_space<hbm>>
    %dma_start3A_141 = tpu.memref_slice %arg7[%add3A_140, %mul3A_2] : memref<8256x2048xf32, #tpu.memory_space<hbm>> -> memref<8x1024xf32, #tpu.memory_space<hbm>>
    tpu.enqueue_dma source(%arg11 : memref<8x1024xf32, #tpu.memory_space<vmem>>) target(%dma_start3A_141 : memref<8x1024xf32, #tpu.memory_space<hbm>>) target_semaphore(%arg13 : memref<!tpu.dma_semaphore, #tpu.memory_space<semaphore_mem>>)
    %parallel_loop3A_142 = arith.constant 0 : i32
    %parallel_loop3A_143 = arith.constant 8 : i32
    %parallel_loop3A_144 = arith.constant 1 : i32
    scf.for %parallel_loop3A_157 = %parallel_loop3A_142 to %parallel_loop3A_143 step %parallel_loop3A_144  : i32 {
      %parallel_loop3A_158 = arith.constant 8 : i32
      %parallel_loop3A_159 = arith.addi %parallel_loop3A_158, %parallel_loop3A_157 : i32
      %parallel_loop3A_160 = arith.index_cast %parallel_loop3A_159 : i32 to index
      %parallel_loop3A_161 = memref.load %arg8[%parallel_loop3A_160] : memref<512xi32, #tpu.memory_space<smem>>
      %parallel_loop3A_162 = arith.constant 0 : i32
      %parallel_loop3A_163 = arith.constant 64 : i32
      %parallel_loop3A_164 = arith.constant 1 : i32
      scf.for %parallel_loop3A_165 = %parallel_loop3A_162 to %parallel_loop3A_163 step %parallel_loop3A_164  : i32 {
        %parallel_loop3A_166 = arith.constant 16 : i32
        %parallel_loop3A_167 = arith.muli %parallel_loop3A_165, %parallel_loop3A_166 : i32
        %parallel_loop3A_168 = arith.index_cast %parallel_loop3A_161 : i32 to index
        %parallel_loop3A_169 = arith.index_cast %parallel_loop3A_167 : i32 to index
        %parallel_loop3A_170 = tpu.vector_load %arg10[%parallel_loop3A_168, %parallel_loop3A_169] {strides = array<i32>} : memref<100x1024xf32, #tpu.memory_space<vmem>>, vector<1x16xf32>,
        %parallel_loop3A_171 = vector.shape_cast %parallel_loop3A_170 : vector<1x16xf32> to vector<16xf32>
        %parallel_loop3A_172 = arith.constant 16 : i32
        %parallel_loop3A_173 = arith.muli %parallel_loop3A_165, %parallel_loop3A_172 : i32
        %parallel_loop3A_174 = arith.index_cast %parallel_loop3A_157 : i32 to index
        %parallel_loop3A_175 = arith.index_cast %parallel_loop3A_173 : i32 to index
        %parallel_loop3A_176 = tpu.vector_load %arg12[%parallel_loop3A_174, %parallel_loop3A_175] {strides = array<i32>} : memref<8x1024xf32, #tpu.memory_space<vmem>>, vector<1x16xf32>,
        %parallel_loop3A_177 = vector.shape_cast %parallel_loop3A_176 : vector<1x16xf32> to vector<16xf32>
        %parallel_loop3A_178 = vector.shape_cast %parallel_loop3A_171 : vector<16xf32> to vector<1x16xf32>
        tpu.vector_store %arg12[%parallel_loop3A_174, %parallel_loop3A_175], %parallel_loop3A_178 {strides = array<i32>} : memref<8x1024xf32, #tpu.memory_space<vmem>>, vector<1x16xf32>,
      } {sc.loop_unroll_factor = 8 : i64, sc.parallel_access}
    } {sc.loop_unroll_factor = 4 : i64, sc.parallel_access}
    %add3A_145 = arith.constant 8 : i32
    %add3A_146 = arith.addi %add3A_41, %add3A_145 : i32
    %dma_start3A_147 = tpu.memref_slice %arg7[%add3A_146, %mul3A_2] : memref<8256x2048xf32, #tpu.memory_space<hbm>> -> memref<8x1024xf32, #tpu.memory_space<hbm>>
    %dma_start3A_148 = tpu.memref_slice %arg7[%add3A_146, %mul3A_2] : memref<8256x2048xf32, #tpu.memory_space<hbm>> -> memref<8x1024xf32, #tpu.memory_space<hbm>>
    tpu.enqueue_dma source(%arg12 : memref<8x1024xf32, #tpu.memory_space<vmem>>) target(%dma_start3A_148 : memref<8x1024xf32, #tpu.memory_space<hbm>>) target_semaphore(%arg14 : memref<!tpu.dma_semaphore, #tpu.memory_space<semaphore_mem>>)
    %scan3A = arith.constant 0 : i32
    %scan3A_149 = arith.constant 1 : i32
    %scan3A_150 = arith.constant 31 : i32
    %scan3A_151 = arith.addi %scan3A_149, %scan3A_150 : i32
    %scan3A_152 = arith.constant 1 : i32
    scf.for %scan3A_157 = %scan3A_149 to %scan3A_151 step %scan3A_152  : i32 {
      %mul3A_158 = arith.constant 2 : i32
      %mul3A_159 = arith.muli %scan3A_157, %mul3A_158 : i32
      %add3A_160 = arith.constant 0 : i32
      %add3A_161 = arith.addi %mul3A_159, %add3A_160 : i32
      %dma_wait3A_162 = tpu.memref_slice %arg7[%add3A_41, %mul3A_2] : memref<8256x2048xf32, #tpu.memory_space<hbm>> -> memref<8x1024xf32, #tpu.memory_space<hbm>>
      %dma_wait3A_163 = tpu.memref_slice %arg7[%add3A_41, %mul3A_2] : memref<8256x2048xf32, #tpu.memory_space<hbm>> -> memref<8x1024xf32, #tpu.memory_space<hbm>>
      tpu.wait_dma2 semaphore(%arg13 : memref<!tpu.dma_semaphore, #tpu.memory_space<semaphore_mem>>) src(%arg11 : memref<8x1024xf32, #tpu.memory_space<vmem>>) dst(%dma_wait3A_163 : memref<8x1024xf32, #tpu.memory_space<hbm>>)
      %parallel_loop3A_164 = arith.constant 0 : i32
      %parallel_loop3A_165 = arith.constant 8 : i32
      %parallel_loop3A_166 = arith.constant 1 : i32
      scf.for %parallel_loop3A_186 = %parallel_loop3A_164 to %parallel_loop3A_165 step %parallel_loop3A_166  : i32 {
        %parallel_loop3A_187 = arith.constant 8 : i32
        %parallel_loop3A_188 = arith.muli %add3A_161, %parallel_loop3A_187 : i32
        %parallel_loop3A_189 = arith.addi %parallel_loop3A_188, %parallel_loop3A_186 : i32
        %parallel_loop3A_190 = arith.index_cast %parallel_loop3A_189 : i32 to index
        %parallel_loop3A_191 = memref.load %arg8[%parallel_loop3A_190] : memref<512xi32, #tpu.memory_space<smem>>
        %parallel_loop3A_192 = arith.constant 0 : i32
        %parallel_loop3A_193 = arith.constant 64 : i32
        %parallel_loop3A_194 = arith.constant 1 : i32
        scf.for %parallel_loop3A_195 = %parallel_loop3A_192 to %parallel_loop3A_193 step %parallel_loop3A_194  : i32 {
          %parallel_loop3A_196 = arith.constant 16 : i32
          %parallel_loop3A_197 = arith.muli %parallel_loop3A_195, %parallel_loop3A_196 : i32
          %parallel_loop3A_198 = arith.index_cast %parallel_loop3A_191 : i32 to index
          %parallel_loop3A_199 = arith.index_cast %parallel_loop3A_197 : i32 to index
          %parallel_loop3A_200 = tpu.vector_load %arg10[%parallel_loop3A_198, %parallel_loop3A_199] {strides = array<i32>} : memref<100x1024xf32, #tpu.memory_space<vmem>>, vector<1x16xf32>,
          %parallel_loop3A_201 = vector.shape_cast %parallel_loop3A_200 : vector<1x16xf32> to vector<16xf32>
          %parallel_loop3A_202 = arith.constant 16 : i32
          %parallel_loop3A_203 = arith.muli %parallel_loop3A_195, %parallel_loop3A_202 : i32
          %parallel_loop3A_204 = arith.index_cast %parallel_loop3A_186 : i32 to index
          %parallel_loop3A_205 = arith.index_cast %parallel_loop3A_203 : i32 to index
          %parallel_loop3A_206 = tpu.vector_load %arg11[%parallel_loop3A_204, %parallel_loop3A_205] {strides = array<i32>} : memref<8x1024xf32, #tpu.memory_space<vmem>>, vector<1x16xf32>,
          %parallel_loop3A_207 = vector.shape_cast %parallel_loop3A_206 : vector<1x16xf32> to vector<16xf32>
          %parallel_loop3A_208 = vector.shape_cast %parallel_loop3A_201 : vector<16xf32> to vector<1x16xf32>
          tpu.vector_store %arg11[%parallel_loop3A_204, %parallel_loop3A_205], %parallel_loop3A_208 {strides = array<i32>} : memref<8x1024xf32, #tpu.memory_space<vmem>>, vector<1x16xf32>,
        } {sc.loop_unroll_factor = 8 : i64, sc.parallel_access}
      } {sc.loop_unroll_factor = 4 : i64, sc.parallel_access}
      %mul3A_167 = arith.constant 8 : i32
      %mul3A_168 = arith.muli %add3A_161, %mul3A_167 : i32
      %add3A_169 = arith.addi %add3A_41, %mul3A_168 : i32
      %dma_start3A_170 = tpu.memref_slice %arg7[%add3A_169, %mul3A_2] : memref<8256x2048xf32, #tpu.memory_space<hbm>> -> memref<8x1024xf32, #tpu.memory_space<hbm>>
      %dma_start3A_171 = tpu.memref_slice %arg7[%add3A_169, %mul3A_2] : memref<8256x2048xf32, #tpu.memory_space<hbm>> -> memref<8x1024xf32, #tpu.memory_space<hbm>>
      tpu.enqueue_dma source(%arg11 : memref<8x1024xf32, #tpu.memory_space<vmem>>) target(%dma_start3A_171 : memref<8x1024xf32, #tpu.memory_space<hbm>>) target_semaphore(%arg13 : memref<!tpu.dma_semaphore, #tpu.memory_space<semaphore_mem>>)
      %mul3A_172 = arith.constant 2 : i32
      %mul3A_173 = arith.muli %scan3A_157, %mul3A_172 : i32
      %add3A_174 = arith.constant 1 : i32
      %add3A_175 = arith.addi %mul3A_173, %add3A_174 : i32
      %dma_wait3A_176 = tpu.memref_slice %arg7[%add3A_41, %mul3A_2] : memref<8256x2048xf32, #tpu.memory_space<hbm>> -> memref<8x1024xf32, #tpu.memory_space<hbm>>
      %dma_wait3A_177 = tpu.memref_slice %arg7[%add3A_41, %mul3A_2] : memref<8256x2048xf32, #tpu.memory_space<hbm>> -> memref<8x1024xf32, #tpu.memory_space<hbm>>
      tpu.wait_dma2 semaphore(%arg14 : memref<!tpu.dma_semaphore, #tpu.memory_space<semaphore_mem>>) src(%arg12 : memref<8x1024xf32, #tpu.memory_space<vmem>>) dst(%dma_wait3A_177 : memref<8x1024xf32, #tpu.memory_space<hbm>>)
      %parallel_loop3A_178 = arith.constant 0 : i32
      %parallel_loop3A_179 = arith.constant 8 : i32
      %parallel_loop3A_180 = arith.constant 1 : i32
      scf.for %parallel_loop3A_186 = %parallel_loop3A_178 to %parallel_loop3A_179 step %parallel_loop3A_180  : i32 {
        %parallel_loop3A_187 = arith.constant 8 : i32
        %parallel_loop3A_188 = arith.muli %add3A_175, %parallel_loop3A_187 : i32
        %parallel_loop3A_189 = arith.addi %parallel_loop3A_188, %parallel_loop3A_186 : i32
        %parallel_loop3A_190 = arith.index_cast %parallel_loop3A_189 : i32 to index
        %parallel_loop3A_191 = memref.load %arg8[%parallel_loop3A_190] : memref<512xi32, #tpu.memory_space<smem>>
        %parallel_loop3A_192 = arith.constant 0 : i32
        %parallel_loop3A_193 = arith.constant 64 : i32
        %parallel_loop3A_194 = arith.constant 1 : i32
        scf.for %parallel_loop3A_195 = %parallel_loop3A_192 to %parallel_loop3A_193 step %parallel_loop3A_194  : i32 {
          %parallel_loop3A_196 = arith.constant 16 : i32
          %parallel_loop3A_197 = arith.muli %parallel_loop3A_195, %parallel_loop3A_196 : i32
          %parallel_loop3A_198 = arith.index_cast %parallel_loop3A_191 : i32 to index
          %parallel_loop3A_199 = arith.index_cast %parallel_loop3A_197 : i32 to index
          %parallel_loop3A_200 = tpu.vector_load %arg10[%parallel_loop3A_198, %parallel_loop3A_199] {strides = array<i32>} : memref<100x1024xf32, #tpu.memory_space<vmem>>, vector<1x16xf32>,
          %parallel_loop3A_201 = vector.shape_cast %parallel_loop3A_200 : vector<1x16xf32> to vector<16xf32>
          %parallel_loop3A_202 = arith.constant 16 : i32
          %parallel_loop3A_203 = arith.muli %parallel_loop3A_195, %parallel_loop3A_202 : i32
          %parallel_loop3A_204 = arith.index_cast %parallel_loop3A_186 : i32 to index
          %parallel_loop3A_205 = arith.index_cast %parallel_loop3A_203 : i32 to index
          %parallel_loop3A_206 = tpu.vector_load %arg12[%parallel_loop3A_204, %parallel_loop3A_205] {strides = array<i32>} : memref<8x1024xf32, #tpu.memory_space<vmem>>, vector<1x16xf32>,
          %parallel_loop3A_207 = vector.shape_cast %parallel_loop3A_206 : vector<1x16xf32> to vector<16xf32>
          %parallel_loop3A_208 = vector.shape_cast %parallel_loop3A_201 : vector<16xf32> to vector<1x16xf32>
          tpu.vector_store %arg12[%parallel_loop3A_204, %parallel_loop3A_205], %parallel_loop3A_208 {strides = array<i32>} : memref<8x1024xf32, #tpu.memory_space<vmem>>, vector<1x16xf32>,
        } {sc.loop_unroll_factor = 8 : i64, sc.parallel_access}
      } {sc.loop_unroll_factor = 4 : i64, sc.parallel_access}
      %mul3A_181 = arith.constant 8 : i32
      %mul3A_182 = arith.muli %add3A_175, %mul3A_181 : i32
      %add3A_183 = arith.addi %add3A_41, %mul3A_182 : i32
      %dma_start3A_184 = tpu.memref_slice %arg7[%add3A_183, %mul3A_2] : memref<8256x2048xf32, #tpu.memory_space<hbm>> -> memref<8x1024xf32, #tpu.memory_space<hbm>>
      %dma_start3A_185 = tpu.memref_slice %arg7[%add3A_183, %mul3A_2] : memref<8256x2048xf32, #tpu.memory_space<hbm>> -> memref<8x1024xf32, #tpu.memory_space<hbm>>
      tpu.enqueue_dma source(%arg12 : memref<8x1024xf32, #tpu.memory_space<vmem>>) target(%dma_start3A_185 : memref<8x1024xf32, #tpu.memory_space<hbm>>) target_semaphore(%arg14 : memref<!tpu.dma_semaphore, #tpu.memory_space<semaphore_mem>>)
    }
    %scan3A_153 = arith.constant 31 : i32
    %dma_wait3A = tpu.memref_slice %arg7[%add3A_41, %mul3A_2] : memref<8256x2048xf32, #tpu.memory_space<hbm>> -> memref<8x1024xf32, #tpu.memory_space<hbm>>
    %dma_wait3A_154 = tpu.memref_slice %arg7[%add3A_41, %mul3A_2] : memref<8256x2048xf32, #tpu.memory_space<hbm>> -> memref<8x1024xf32, #tpu.memory_space<hbm>>
    tpu.wait_dma2 semaphore(%arg13 : memref<!tpu.dma_semaphore, #tpu.memory_space<semaphore_mem>>) src(%arg11 : memref<8x1024xf32, #tpu.memory_space<vmem>>) dst(%dma_wait3A_154 : memref<8x1024xf32, #tpu.memory_space<hbm>>)
    %dma_wait3A_155 = tpu.memref_slice %arg7[%add3A_41, %mul3A_2] : memref<8256x2048xf32, #tpu.memory_space<hbm>> -> memref<8x1024xf32, #tpu.memory_space<hbm>>
    %dma_wait3A_156 = tpu.memref_slice %arg7[%add3A_41, %mul3A_2] : memref<8256x2048xf32, #tpu.memory_space<hbm>> -> memref<8x1024xf32, #tpu.memory_space<hbm>>
    tpu.wait_dma2 semaphore(%arg14 : memref<!tpu.dma_semaphore, #tpu.memory_space<semaphore_mem>>) src(%arg12 : memref<8x1024xf32, #tpu.memory_space<vmem>>) dst(%dma_wait3A_156 : memref<8x1024xf32, #tpu.memory_space<hbm>>)
    return
  }
}

</mosaic_0001>

<sc_bundles>
// kernel: kernel.3.cloned.1.call-start
scs
__scs_entry_jumppad:
0x0: {  	(pc) =	sbr.rel $0x88, $3  }
0x1: {  	(tag) =	ssettag $0x0;
	lr =	simm.s32 $0x1  }
0x2: {  	[smem:$0x3F9E] =	sst lr;
	_ =	strace $0xD0000000  }
0x3: {  	_ = 	snop  }
0x4: {  	_ = 	snop  }
0x5: {  	_ = 	snop  }
0x6: {  	_ = 	snop  }
0x7: {  	_ = 	snop  }
__scs_overlays_trampoline_lowered:
0x8: {  	[smem:$0x3FAD] =	sst s0  }
0x9: {  	[smem:$0x3FAE] =	sst s1  }
0xa: {  	[smem:$0x3FAF] =	sst s2  }
0xb: {  	[smem:$0x3FB0] =	sst s3  }
0xc: {  	[smem:$0x3FB1] =	sst s4  }
0xd: {  	[smem:$0x3FB2] =	sst s5  }
0xe: {  	[smem:$0x3FB3] =	sst s6  }
0xf: {  	[smem:$0x3FB4] =	sst s7  }
0x10: {  	[smem:$0x3FB5] =	sst s8  }
0x11: {  	[smem:$0x3FB6] =	sst s9;
	s0 =	simm.s32 @!p0 $0x0  }
0x12: {  	s1 =	sld [smem:$0x3F9C];
	s0 =	simm.s32 @p0 $0x1  }
0x13: {  	[smem:$0x3FB7] =	sst s0;
	s0 =	simm.s32 @!p1 $0x0  }
0x14: {  	s2 =	sld [smem:$0x3F9B];
	s0 =	simm.s32 @p1 $0x1  }
0x15: {  	[smem:$0x3FB8] =	sst s0;
	s0 =	simm.s32 @!p2 $0x0  }
0x16: {  	s3 =	sld [smem:$0x3FDB];
	s0 =	simm.s32 @p2 $0x1  }
0x17: {  	s4 =	simm.s32 $0x1BF5;
	[smem:$0x3FBA] =	sst s0  }
0x18: {  	s0 =	sld [smem:$0x3F9D];
	_ =	swait.ge [sflag:s4], $0x0  }
0x19: {  	s7 =	sld [smem:$0x3F9E]  }
0x1a: {  	s8 =	sadd.s32 $0xFFFFE003, lr  }
0x1b: {  	s9 =	sadd.s32 $0xFFFFFEF7, lr;
	s5 =	simm.s32 $0xFFFFFFFF;
	p2 =	slt.u32 s8, $0xFFFFF086  }
0x1c: {  	p1 =	slt.u32 s9, $0xF7A;
	s5 =	simm.s32 @!p2 $0x0  }
0x1d: {  	s5 =	simm.s32 @p1 $0x1;
	p0 =	seq.s32 s7, s2  }
0x1e: {  	s7 =	smul.u32 @!p0 $0xF7A, s2;
	p2 =	seq.s32 @!p0 s5, $0x0  }
0x1f: {  	s9 =	smul.u32 $0xF7A, s1;
	s8 =	simm.s32 @!p0 $0x1BF5;
	p2 =	por !p2, p0  }
0x20: {  	[sflag:s8] =	ssyncset.s32 @!p0 $0xFFFFF086;
	s6 =	sadd.s32 @!p0 s3, s7;
	s7 =	simm.s32 @!p0 $0x108  }
0x21: {  	s3 =	sadd.s32 s3, s9;
	s6 =	sadd.s32 @!p0 $0x88, s6;
	s7 =	simm.s32 @p2 $0x1082  }
0x22: {  	[simem:s7], [sflag:s8] =	dma.local @!p0 [hbm:s6], $0xF7A  }
0x23: {  	s9 =	sor.u32 $0xD0000000, s2;
	s6 =	simm.s32 $0x108;
	_ =	swait.ge @!p0 [sflag:s8], $0x0  }
0x24: {  	s3 =	sadd.s32 $0x88, s3;
	s6 =	simm.s32 @!p1 $0x1082;
	[sflag:s4] =	ssyncset.s32 $0xFFFFF086  }
0x25: {  	[simem:s6], [sflag:s4] =	dma.local [hbm:s3], $0xF7A  }
0x26: {  	[smem:$0x3F9E] =	sst s1;
	(tag) =	ssettag s2;
	_ =	strace s9  }
0x27: {  	s1 =	sld [smem:$0x3FAE]  }
0x28: {  	s2 =	sld [smem:$0x3FAF]  }
0x29: {  	s4 =	sld [smem:$0x3FB1]  }
0x2a: {  	p0 =	seq.s32 s5, $0x0;
	s5 =	sld [smem:$0x3FB2]  }
0x2b: {  	s6 =	sld [smem:$0x3FB3]  }
0x2c: {  	s7 =	sld [smem:$0x3FB4]  }
0x2d: {  	s3 =	simm.s32 $0x108;
	s8 =	sld [smem:$0x3FB5]  }
0x2e: {  	s3 =	simm.s32 @!p0 $0x1082;
	s9 =	sld [smem:$0x3FB6]  }
0x2f: {  	lr =	sadd.s32 s0, s3;
	s0 =	sld [smem:$0x3FAD]  }
0x30: {  	s3 =	sld [smem:$0x3FB0]  }
0x31: {  	[smem:$0x3FB9] =	sst s10  }
0x32: {  	s10 =	sld [smem:$0x3FB7];
	_ =	sdelay $0x3  }
0x33: {  	p0 =	seq.s32 s10, $0x1;
	s10 =	sld [smem:$0x3FB9];
	_ =	sdelay $0x3  }
0x34: {  	[smem:$0x3FB9] =	sst s10  }
0x35: {  	s10 =	sld [smem:$0x3FB8];
	_ =	sdelay $0x3  }
0x36: {  	p1 =	seq.s32 s10, $0x1;
	s10 =	sld [smem:$0x3FB9];
	_ =	sdelay $0x3  }
0x37: {  	[smem:$0x3FB9] =	sst s10  }
0x38: {  	s10 =	sld [smem:$0x3FBA]  }
0x39: {  	_ = 	snop;
	(pc) =	sbr.ind lr, $3  }
0x3a: {  	_ = 	snop  }
0x3b: {  	_ = 	snop  }
0x3c: {  	p2 =	seq.s32 s10, $0x1;
	s10 =	sld [smem:$0x3FB9]  }
0x3d: {  	_ =	shalt  }
0x3e: {  	_ =	shalt  }
0x3f: {  	_ =	shalt  }
0x40: {  	_ =	shalt  }
0x41: {  	_ =	shalt  }
0x42: {  	_ =	shalt  }
0x43: {  	_ =	shalt  }
0x44: {  	_ =	shalt  }
0x45: {  	_ =	shalt  }
0x46: {  	_ =	shalt  }
0x47: {  	_ =	shalt  }
0x48: {  	_ =	shalt  }
0x49: {  	_ =	shalt  }
0x4a: {  	_ =	shalt  }
0x4b: {  	_ =	shalt  }
0x4c: {  	_ =	shalt  }
0x4d: {  	_ =	shalt  }
0x4e: {  	_ =	shalt  }
0x4f: {  	_ =	shalt  }
0x50: {  	_ =	shalt  }
0x51: {  	_ =	shalt  }
0x52: {  	_ =	shalt  }
0x53: {  	_ =	shalt  }
0x54: {  	_ =	shalt  }
0x55: {  	_ =	shalt  }
0x56: {  	_ =	shalt  }
0x57: {  	_ =	shalt  }
0x58: {  	_ =	shalt  }
0x59: {  	_ =	shalt  }
0x5a: {  	_ =	shalt  }
0x5b: {  	_ =	shalt  }
0x5c: {  	_ =	shalt  }
0x5d: {  	_ =	shalt  }
0x5e: {  	_ =	shalt  }
0x5f: {  	_ =	shalt  }
0x60: {  	_ =	shalt  }
0x61: {  	_ =	shalt  }
0x62: {  	_ =	shalt  }
0x63: {  	_ =	shalt  }
0x64: {  	_ =	shalt  }
0x65: {  	_ =	shalt  }
0x66: {  	_ =	shalt  }
0x67: {  	_ =	shalt  }
0x68: {  	_ =	shalt  }
0x69: {  	_ =	shalt  }
0x6a: {  	_ =	shalt  }
0x6b: {  	_ =	shalt  }
0x6c: {  	_ =	shalt  }
0x6d: {  	_ =	shalt  }
0x6e: {  	_ =	shalt  }
0x6f: {  	_ =	shalt  }
0x70: {  	_ =	shalt  }
0x71: {  	_ =	shalt  }
0x72: {  	_ =	shalt  }
0x73: {  	_ =	shalt  }
0x74: {  	_ =	shalt  }
0x75: {  	_ =	shalt  }
0x76: {  	_ =	shalt  }
0x77: {  	_ =	shalt  }
0x78: {  	_ =	shalt  }
0x79: {  	_ =	shalt  }
0x7a: {  	_ =	shalt  }
0x7b: {  	_ =	shalt  }
0x7c: {  	_ =	shalt  }
0x7d: {  	_ =	shalt  }
0x7e: {  	_ =	shalt  }
0x7f: {  	_ =	shalt  }
0x80: {  	_ =	shalt  }
0x81: {  	_ =	shalt  }
0x82: {  	_ =	shalt  }
0x83: {  	_ =	shalt  }
0x84: {  	_ =	shalt  }
0x85: {  	_ =	shalt  }
0x86: {  	_ =	shalt  }
0x87: {  	_ =	shalt  }
.Lfunc_end0:
.L_simem_size_0:
called_computation_lowered:
.L_overlay_start_0:
0x88: {  	s2 =	sld [smem:$0x3FD9]  }
0x89: {  	s3 =	sld [smem:$0x3FFE];
	_ =	sdelay $0x1  }
0x8a: {  	s1 =	srdreg.scid  }
0x8b: {  	s0 =	sand.u32 $0x1, s1  }
0x8c: {  	s17 =	sshll.u32 s0, $0xA;
	s2 =	sadd.s32 s3, s2  }
0x8d: {  	s2 =	sadd.s32 s2, s17  }
0x8e: {  	[smem:$0x3FC5] =	sst s2  }
0x8f: {  	_ = 	snop  }
0x90: {  	s2 =	sld [smem:$0x3FD0];
	(tm) =	ssettm $0x1  }
0x91: {  	s18 =	sld [smem:$0x3FFB];
	_ =	sdelay $0x3  }
0x92: {  	_ =	strace s18  }
0x93: {  	s3 =	sld [smem:$0x3FFC];
	_ =	sdelay $0x3  }
0x94: {  	_ =	strace s3  }
0x95: {  	s3 =	sld [smem:$0x3FFD];
	_ =	sdelay $0x3  }
0x96: {  	_ =	strace s3  }
0x97: {  	_ =	strace $0x8FFFFFFF  }
0x98: {  	s19 =	sld [smem:$0x3FDB];
	_ =	sdelay $0x1  }
0x99: {  	s4 =	simm.s32 $_scs_section_size  }
0x9a: {  	s5 =	simm.s32 $_size__tile_overlayer_lowered;
	s6 =	simm.s32 $_tile_overlayer_lowered  }
0x9b: {  	s22 =	simm.s32 $0x1BFF;
	s21 =	sshll.u32 s6, $0x1;
	s3 =	sadd.s32 s4, s19  }
0x9c: {  	s7 =	simm.s32 $0x0;
	s20 =	sshll.u32 s5, $0x1;
	s5 =	sadd.s32 s21, s3  }
0x9d: {  	[timem:s7], [sflag:s22] =	dma.local [hbm:s5], s20  }
0x9e: {  	_ =	swait.ge [sflag:s22], s20  }
0x9f: {  	s4 =	ssub.s32 $0x0, s20;
	[sflag:s22] =	ssyncset.done $0x0  }
0xa0: {  	[sflag:s22] =	ssyncadd.s32 s4;
	_ =	sdelay $0x1  }
0xa1: {  	s23 =	simm.s32 $0x1B8B  }
0xa2: {  	_ =	swait.ge [sflag:s23], $0x1  }
0xa3: {  	[sflag:s23] =	ssyncset.done $0x0  }
0xa4: {  	s25 =	simm.s32 $0x1B8E;
	s24 =	sld [smem:$0x3FFE];
	[sflag:s23] =	ssyncadd.s32 $0xFFFFFFFF  }
0xa5: {  	s26 =	simm.s32 $execute0_lowered;
	[smem:$0x3FD2] =	sst s25  }
0xa6: {  	s5 =	sshll.u32 s26, $0x1;
	_ =	strace $0x80000046;
	[dreg:$0x1] =	wrdreg $0xFFFFFFFF  }
0xa7: {  	s28 =	simm.s32 $_size_execute0_lowered;
	s3 =	sadd.s32 s3, s5;
	[dreg:$0x0] =	wrdreg $0x0  }
0xa8: {  	s5 =	sshll.u32 s28, $0x1;
	[dreg:$0x2] =	wrdreg s3  }
0xa9: {  	[dreg:$0x3] =	wrdreg s5  }
0xaa: {  	[dreg:$0x4] =	wrdreg $0xC0  }
0xab: {  	_ =	task [dreg:s7], $0x5FFFF  }
0xac: {  	[dreg:$0x1] =	wrdreg $0xFFFFFFFF  }
0xad: {  	[dreg:$0x0] =	wrdreg $0x60  }
0xae: {  	[dreg:$0x2] =	wrdreg s24  }
0xaf: {  	[dreg:$0x3] =	wrdreg s2  }
0xb0: {  	[dreg:$0x4] =	wrdreg $0x0  }
0xb1: {  	[dreg:$0x5] =	wrdreg $0x9  }
0xb2: {  	_ =	task.clear_ibuf [dreg:s7], $0x6FFFF;
	_ =	strace $0x90000046  }
0xb3: {  	s29 =	simm.s32 $0x9;
	_ =	strace $0x80000048  }
0xb4: {  	_ =	swait.ge [sflag:s29], $0x1  }
0xb5: {  	[sflag:s29] =	ssyncadd.s32 $0xFFFFFFFF  }
0xb6: {  	_ =	strace $0x90000048  }
0xb7: {  	_ =	sfence  }
0xb8: {  	s30 =	sld [smem:$0x0];
	_ =	sdelay $0x2  }
0xb9: {  	s31 =	sshll.u32 s1, $0xD;
	s1 =	sshrl.u32 s1, $0x2  }
0xba: {  	s3 =	sand.u32 $0x4000, s31;
	s1 =	sadd.s32 s1, s30  }
0xbb: {  	s0 =	sor.u32 s3, s0;
	s1 =	sshll.u32 s1, $0x11  }
0xbc: {  	s0 =	sor.u32 s1, s0  }
0xbd: {  	s0 =	sadd.s32 $0x8F2B, s0  }
0xbe: {  	[sflag:s0] =	ssyncadd.remote.s32 $0x1  }
0xbf: {  	_ =	sfence.sel $0xFFFF  }
0xc0: {  	[dreg:$0x0] =	wrdreg $0xFFFFFFFF;
	(pc) =	sbr.abs _section_cstart, $3  }
0xc1: {  	[dreg:$0x1] =	wrdreg $0xFFFFFFFF  }
0xc2: {  	_ =	task.clear_ibuf [dreg:s7], $0x2FFFF;
	_ =	strace $0x9FFFFFFF  }
0xc3: {  	(tm) =	ssettm $0x7FFFFFFF  }
tec
execute0_lowered:
.L_overlay_start_1:
0x0: {  	(tag) =	ssettag $0x1  }
0x1: {  	s0 =	rddreg [dreg:$0x0]  }
0x2: {  	s1 =	rddreg [dreg:$0x1]  }
0x3: {  	s2 =	rddreg [dreg:$0x2];
	s3 =	simm.s32 $0x0;
	s16 =	stileid.u32  }
0x4: {  	s4 =	srdreg.scid;
	s15 =	simm.s32 $0x1C00;
	s17 =	simm.s32 $0x4  }
0x5: {  	s20 =	simm.s32 $0x1A200;
	s21 =	simm.s32 $0x3;
	s22 =	simm.s32 $0x1C200  }
0x6: {  	s23 =	simm.s32 $0x1;
	[smem:$0x7FF] =	sst s3;
	s9 =	sshll.u32 s16, $0x6  }
0x7: {  	s6 =	sand.u32 $0x1, s4;
	s7 =	sshrl.u32 s16, $0x2;
	s10 =	sshll.u32 s16, $0x9  }
0x8: {  	s26 =	sshrl.u32 s16, $0x1;
	_ =	strace $0x80000047;
	s5 =	sadd.s32 s9, s0  }
0x9: {  	s4 =	sshll.u32 s6, $0xA;
	s8 =	ssub.s32 $0x2, s6;
	s7 =	smul.u32 $0x810, s7  }
0xa: {  	s12 =	sand.u32 $0x600, s10;
	p1 =	seq.s32 s6, $0x1;
	s28 =	sshll.u32 s6, $0xE  }
0xb: {  	s6 =	sshll.u32 s6, $0xD;
	s18 =	sor.u32 $0x1C04, s9;
	s11 =	sadd.s32 s4, s0  }
0xc: {  	s24 =	sshrl.u32 s8, $0x1;
	s4 =	sadd.s32 s10, s2;
	s2 =	sand.u32 $0x1, s16  }
0xd: {  	s5 =	sadd.s32 $0x800, s5;
	s15 =	simm.s32 @!p1 $0x5000;
	p1 =	sgt.u32 s16, $0x7  }
0xe: {  	s16 =	simm.s32 $0x200;
	s14 =	ssub.s32 s8, s24;
	s25 =	sadd.s32 s12, s7  }
0xf: {  	s7 =	smul.u32 $0x408000, s26;
	p0 =	seq.s32 s2, $0x1;
	s29 =	sshll.u32 s2, $0xD  }
0x10: {  	s15 =	sadd.s32 s15, s0;
	s19 =	sshrl.u32 s4, $0x3;
	s24 =	simm.s32 $0x2  }
0x11: {  	s13 =	sadd.s32 $0x10, s25;
	s14 =	smax.u32 s14, $0x1;
	p2 =	seq.s32 @!p0 s2, $0x0  }
0x12: {  	s25 =	simm.s32 $0x0;
	s8 =	sor.u32 s28, s7;
	s30 =	sshll.u32 s13, $0xB  }
0x13: {  	s7 =	sadd.s32 $0x1400, s11;
	s10 =	sor.u32 s29, s8;
	s8 =	sor.u32 s6, s30  }
0x14: {  	s11 =	sadd.s32 $0xC00, s11;
	s13 =	sshrl.u32 s13, $0x3;
	s31 =	sshrl.u32 s8, $0x3  }
0x15: {  	[dreg:$0x4] =	wrdreg s11;
	s10 =	sshrl.u32 s10, $0x3;
	s11 =	sadd.s32 s1, s31  }
0x16: {  	p2 =	por p0, !p2;
	s10 =	sadd.s32 s1, s10;
	s12 =	sadd.s32 $0x800, s11  }
.LBB2_1:
0x17: {  	[tilespmem:s16], [sflag:$0x4] =	stream.linear.gather [hbm4b:s15+s3], $0x1A000, $0x38;
	[tilespmem:$0x1E200] =	vst v63  }
0x18: {  	_ =	swait.ge [sflag:s17], $0x1A000  }
0x19: {  	[sflag:s17] =	ssyncset.done $0x0  }
0x1a: {  	[sflag:s17] =	ssyncadd.s32 $0xFFFE6000  }
0x1b: {  	[spmem:s19], [sflag:s18] =	dma.local [hbm:s5], $0x40  }
0x1c: {  	_ =	swait.ge [sflag:s17], $0x40  }
0x1d: {  	[sflag:s17] =	ssyncset.done $0x0  }
.Ltmp0:
0x1e: {  	[sflag:s17] =	ssyncadd.s32 $0xFFFFFFC0;
	(pc) =	sbr.rel @p1 .LBB2_3-.Ltmp0, $4  }
0x1f: {  	[smem:s3], [sflag:$0x4] =	stream.linear.gather [spmem:s4], $0x200, $0x38;
	[tilespmem:$0x1E200] =	vst v63  }
0x20: {  	_ =	swait.ge [sflag:s17], $0x200  }
0x21: {  	[sflag:s17] =	ssyncset.done $0x0  }
0x22: {  	[sflag:s17] =	ssyncadd.s32 $0xFFFFFE00  }
0x23: {  	s0 =	simm.s32 @!p0 $0x0;
	s2 =	simm.s32 @!p0 $0x1A200  }
0x24: {  	[tilespmem:s2], [sflag:$0x3] =	stream.linear.gather @!p0 [hbm4b:s7+s0], $0x2000, $0x38;
	[tilespmem:$0x1E200] =	vst v63  }
0x25: {  	s0 =	simm.s32 @!p0 $0x3  }
0x26: {  	_ =	swait.ge @!p0 [sflag:s0], $0x2000  }
0x27: {  	[sflag:s0] =	ssyncset.done @!p0 $0x0  }
0x28: {  	[sflag:s0] =	ssyncadd.s32 @!p0 $0xFFFFE000;
	s0 =	rddreg @p2 [dreg:$0x4]  }
0x29: {  	[tilespmem:s20], [sflag:$0x3] =	stream.linear.gather @p2 [hbm4b:s0+s3], $0x2000, $0x38;
	[tilespmem:$0x1E200] =	vst v63  }
0x2a: {  	_ =	swait.ge @p2 [sflag:s21], $0x2000  }
0x2b: {  	[sflag:s21] =	ssyncset.done @p2 $0x0  }
0x2c: {  	[sflag:s21] =	ssyncadd.s32 @p2 $0xFFFFE000  }
0x2d: {  	[hbm4b:s10+s3] =	stream.linear.scatter [tilespmem:s20], [sflag:$0x3], $0x2000, $0x38;
	[tilespmem:$0x1E200] =	vst v63  }
0x2e: {  	_ =	swait.ge [sflag:s21], $0x2000  }
0x2f: {  	[sflag:s21] =	ssyncset.done $0x0  }
0x30: {  	[sflag:s21] =	ssyncadd.s32 $0xFFFFE000  }
.LBB2_3:
0x31: {  	s26 =	simm.s32 $0x0;
	p4 =	por $0x1, $0x1  }
.LBB2_4:
0x32: {  	s0 =	sld [smem:s26+$0x0];
	_ =	sdelay $0x2  }
0x33: {  	s2 =	sshll.u32 s0, $0xC;
	s0 =	sand.u32 $0x7, s0  }
0x34: {  	s2 =	sand.u32 $0xFFFF8000, s2;
	s0 =	sshll.u32 s0, $0x9  }
0x35: {  	s0 =	sor.u32 s0, s2  }
0x36: {  	s0 =	sshra.s32 s0, $0x2  }
0x37: {  	s30 =	sadd.s32 $0x240, s0  }
0x38: {  	v3 =	vld [tilespmem:s30+$0x30]  }
0x39: {  	v4 =	vld [tilespmem:s30+$0xFFFFFFD0]  }
0x3a: {  	s31 =	sshll.u32 s26, $0x9;
	v5 =	vld [tilespmem:s30+$0xFFFFFFE0]  }
0x3b: {  	s28 =	sshra.s32 s31, $0x2;
	v2 =	vld [tilespmem:s30+$0xFFFFFFF0]  }
0x3c: {  	s29 =	sadd.s32 $0x1A240, s28;
	v0 =	vld [tilespmem:s30+$0x0]  }
0x3d: {  	v1 =	vld [tilespmem:s30+$0x10];
	[tilespmem:s29+$0x30] =	vst v3  }
0x3e: {  	[tilespmem:s29+$0xFFFFFFD0] =	vst v4;
	v3 =	vld [tilespmem:s30+$0x20]  }
0x3f: {  	p3 =	por p4, p4;
	s0 =	simm.s32 $0x0;
	s2 =	sadd.s32 $0x400, s30;
	v4 =	vld [tilespmem:s30+$0xFFFFFFC0];
	[tilespmem:s29+$0xFFFFFFE0] =	vst v5  }
.LBB2_5:
0x40: {  	v5 =	vld [tilespmem:s2+$0x30];
	s0 =	sadd.s32 $0x8, s0;
	[tilespmem:s29+$0xFFFFFFF0] =	vst v2  }
0x41: {  	v6 =	vld [tilespmem:s2+$0xFFFFFFD0];
	p4 =	slt.u32 s0, $0x38;
	[tilespmem:s29+$0x0] =	vst v0  }
0x42: {  	v7 =	vld [tilespmem:s2+$0xFFFFFFE0];
	[tilespmem:s29+$0x10] =	vst v1  }
.Ltmp1:
0x43: {  	v2 =	vld [tilespmem:s2+$0xFFFFFFF0];
	[tilespmem:s29+$0x20] =	vst v3;
	(pc) =	sbr.rel @p4 .LBB2_5-.Ltmp1, $4  }
0x44: {  	v0 =	vld [tilespmem:s2+$0x0];
	[tilespmem:s29+$0xFFFFFFC0] =	vst v4;
	s29 =	sadd.s32 $0x400, s29  }
0x45: {  	v1 =	vld [tilespmem:s2+$0x10];
	[tilespmem:s29+$0x30] =	vst v5  }
0x46: {  	[tilespmem:s29+$0xFFFFFFD0] =	vst v6;
	v3 =	vld [tilespmem:s2+$0x20]  }
0x47: {  	v4 =	vld [tilespmem:s2+$0xFFFFFFC0];
	[tilespmem:s29+$0xFFFFFFE0] =	vst v7;
	s2 =	sadd.s32 $0x400, s2  }
0x48: {  	s0 =	sor.u32 $0x1, s26  }
0x49: {  	s0 =	sld [smem:s0+$0x0];
	_ =	sdelay $0x2  }
0x4a: {  	s2 =	sshll.u32 s0, $0xC;
	s0 =	sand.u32 $0x7, s0  }
0x4b: {  	s2 =	sand.u32 $0xFFFF8000, s2;
	s0 =	sshll.u32 s0, $0x9  }
0x4c: {  	s0 =	sor.u32 s0, s2  }
0x4d: {  	s0 =	sshra.s32 s0, $0x2  }
0x4e: {  	s31 =	sadd.s32 $0x240, s0  }
0x4f: {  	[tilespmem:s29+$0xFFFFFFF0] =	vst v2;
	v5 =	vld [tilespmem:s31+$0x30]  }
0x50: {  	[tilespmem:s29+$0x0] =	vst v0;
	v6 =	vld [tilespmem:s31+$0xFFFFFFD0]  }
0x51: {  	[tilespmem:s29+$0x10] =	vst v1;
	v7 =	vld [tilespmem:s31+$0xFFFFFFE0]  }
0x52: {  	[tilespmem:s29+$0x20] =	vst v3;
	v0 =	vld [tilespmem:s31+$0xFFFFFFF0]  }
0x53: {  	[tilespmem:s29+$0xFFFFFFC0] =	vst v4;
	s0 =	sadd.s32 $0x1A2F0, s28;
	v1 =	vld [tilespmem:s31+$0x0]  }
0x54: {  	v2 =	vld [tilespmem:s31+$0x10];
	[tilespmem:s0+$0x0] =	vst v5  }
0x55: {  	v4 =	vld [tilespmem:s31+$0x20];
	[tilespmem:s0+$0xFFFFFFA0] =	vst v6  }
0x56: {  	s29 =	simm.s32 $0x0;
	v3 =	vld [tilespmem:s31+$0xFFFFFFC0];
	s2 =	sadd.s32 $0x400, s31;
	[tilespmem:s0+$0xFFFFFFB0] =	vst v7  }
.LBB2_7:
0x57: {  	v5 =	vld [tilespmem:s2+$0x30];
	s29 =	sadd.s32 $0x8, s29;
	[tilespmem:s0+$0xFFFFFFC0] =	vst v0  }
0x58: {  	v6 =	vld [tilespmem:s2+$0xFFFFFFD0];
	p4 =	slt.u32 s29, $0x38;
	[tilespmem:s0+$0xFFFFFFD0] =	vst v1  }
0x59: {  	v7 =	vld [tilespmem:s2+$0xFFFFFFE0];
	[tilespmem:s0+$0xFFFFFFE0] =	vst v2  }
.Ltmp2:
0x5a: {  	v0 =	vld [tilespmem:s2+$0xFFFFFFF0];
	[tilespmem:s0+$0xFFFFFFF0] =	vst v4;
	(pc) =	sbr.rel @p4 .LBB2_7-.Ltmp2, $4  }
0x5b: {  	v1 =	vld [tilespmem:s2+$0x0];
	[tilespmem:s0+$0xFFFFFF90] =	vst v3;
	s0 =	sadd.s32 $0x400, s0  }
0x5c: {  	v2 =	vld [tilespmem:s2+$0x10];
	[tilespmem:s0+$0x0] =	vst v5  }
0x5d: {  	[tilespmem:s0+$0xFFFFFFA0] =	vst v6;
	v4 =	vld [tilespmem:s2+$0x20]  }
0x5e: {  	v3 =	vld [tilespmem:s2+$0xFFFFFFC0];
	[tilespmem:s0+$0xFFFFFFB0] =	vst v7;
	s2 =	sadd.s32 $0x400, s2  }
0x5f: {  	s2 =	sor.u32 $0x2, s26  }
0x60: {  	s2 =	sld [smem:s2+$0x0];
	_ =	sdelay $0x2  }
0x61: {  	s9 =	sshll.u32 s2, $0xC;
	s2 =	sand.u32 $0x7, s2  }
0x62: {  	s9 =	sand.u32 $0xFFFF8000, s9;
	s2 =	sshll.u32 s2, $0x9  }
0x63: {  	s2 =	sor.u32 s2, s9  }
0x64: {  	s2 =	sshra.s32 s2, $0x2  }
0x65: {  	s2 =	sadd.s32 $0x240, s2  }
0x66: {  	[tilespmem:s0+$0xFFFFFFC0] =	vst v0;
	v5 =	vld [tilespmem:s2+$0x30]  }
0x67: {  	[tilespmem:s0+$0xFFFFFFD0] =	vst v1;
	v6 =	vld [tilespmem:s2+$0xFFFFFFD0]  }
0x68: {  	[tilespmem:s0+$0xFFFFFFE0] =	vst v2;
	v7 =	vld [tilespmem:s2+$0xFFFFFFE0]  }
0x69: {  	[tilespmem:s0+$0xFFFFFFF0] =	vst v4;
	v0 =	vld [tilespmem:s2+$0xFFFFFFF0]  }
0x6a: {  	[tilespmem:s0+$0xFFFFFF90] =	vst v3;
	s0 =	sadd.s32 $0x1A370, s28;
	v1 =	vld [tilespmem:s2+$0x0]  }
0x6b: {  	v2 =	vld [tilespmem:s2+$0x10];
	[tilespmem:s0+$0x0] =	vst v5  }
0x6c: {  	v4 =	vld [tilespmem:s2+$0x20];
	[tilespmem:s0+$0xFFFFFFA0] =	vst v6  }
0x6d: {  	s29 =	simm.s32 $0x0;
	v3 =	vld [tilespmem:s2+$0xFFFFFFC0];
	s2 =	sadd.s32 $0x400, s2;
	[tilespmem:s0+$0xFFFFFFB0] =	vst v7  }
.LBB2_9:
0x6e: {  	v5 =	vld [tilespmem:s2+$0x30];
	s29 =	sadd.s32 $0x8, s29;
	[tilespmem:s0+$0xFFFFFFC0] =	vst v0  }
0x6f: {  	v6 =	vld [tilespmem:s2+$0xFFFFFFD0];
	p4 =	slt.u32 s29, $0x38;
	[tilespmem:s0+$0xFFFFFFD0] =	vst v1  }
0x70: {  	v7 =	vld [tilespmem:s2+$0xFFFFFFE0];
	[tilespmem:s0+$0xFFFFFFE0] =	vst v2  }
.Ltmp3:
0x71: {  	v0 =	vld [tilespmem:s2+$0xFFFFFFF0];
	[tilespmem:s0+$0xFFFFFFF0] =	vst v4;
	(pc) =	sbr.rel @p4 .LBB2_9-.Ltmp3, $4  }
0x72: {  	v1 =	vld [tilespmem:s2+$0x0];
	[tilespmem:s0+$0xFFFFFF90] =	vst v3;
	s0 =	sadd.s32 $0x400, s0  }
0x73: {  	v2 =	vld [tilespmem:s2+$0x10];
	[tilespmem:s0+$0x0] =	vst v5  }
0x74: {  	[tilespmem:s0+$0xFFFFFFA0] =	vst v6;
	v4 =	vld [tilespmem:s2+$0x20]  }
0x75: {  	v3 =	vld [tilespmem:s2+$0xFFFFFFC0];
	[tilespmem:s0+$0xFFFFFFB0] =	vst v7;
	s2 =	sadd.s32 $0x400, s2  }
0x76: {  	s2 =	sld [smem:s26+$0x3];
	_ =	sdelay $0x2  }
0x77: {  	s9 =	sshll.u32 s2, $0xC;
	s2 =	sand.u32 $0x7, s2  }
0x78: {  	s9 =	sand.u32 $0xFFFF8000, s9;
	s2 =	sshll.u32 s2, $0x9  }
0x79: {  	s2 =	sor.u32 s2, s9  }
0x7a: {  	s2 =	sshra.s32 s2, $0x2  }
0x7b: {  	s2 =	sadd.s32 $0x240, s2  }
0x7c: {  	[tilespmem:s0+$0xFFFFFFC0] =	vst v0;
	v5 =	vld [tilespmem:s2+$0x30]  }
0x7d: {  	[tilespmem:s0+$0xFFFFFFD0] =	vst v1;
	v6 =	vld [tilespmem:s2+$0xFFFFFFD0]  }
0x7e: {  	[tilespmem:s0+$0xFFFFFFE0] =	vst v2;
	v7 =	vld [tilespmem:s2+$0xFFFFFFE0]  }
0x7f: {  	[tilespmem:s0+$0xFFFFFFF0] =	vst v4;
	v0 =	vld [tilespmem:s2+$0xFFFFFFF0]  }
0x80: {  	[tilespmem:s0+$0xFFFFFF90] =	vst v3;
	s0 =	sadd.s32 $0x1A3F0, s28;
	v1 =	vld [tilespmem:s2+$0x0]  }
0x81: {  	v2 =	vld [tilespmem:s2+$0x10];
	[tilespmem:s0+$0x0] =	vst v5  }
0x82: {  	v3 =	vld [tilespmem:s2+$0x20];
	[tilespmem:s0+$0xFFFFFFA0] =	vst v6  }
0x83: {  	s26 =	simm.s32 $0x0;
	v4 =	vld [tilespmem:s2+$0xFFFFFFC0];
	s2 =	sadd.s32 $0x400, s2;
	[tilespmem:s0+$0xFFFFFFB0] =	vst v7  }
.LBB2_11:
0x84: {  	v5 =	vld [tilespmem:s2+$0x30];
	s26 =	sadd.s32 $0x8, s26;
	[tilespmem:s0+$0xFFFFFFC0] =	vst v0  }
0x85: {  	v6 =	vld [tilespmem:s2+$0xFFFFFFD0];
	p4 =	slt.u32 s26, $0x38;
	[tilespmem:s0+$0xFFFFFFD0] =	vst v1  }
0x86: {  	v7 =	vld [tilespmem:s2+$0xFFFFFFE0];
	[tilespmem:s0+$0xFFFFFFE0] =	vst v2  }
.Ltmp4:
0x87: {  	v0 =	vld [tilespmem:s2+$0xFFFFFFF0];
	[tilespmem:s0+$0xFFFFFFF0] =	vst v3;
	(pc) =	sbr.rel @p4 .LBB2_11-.Ltmp4, $4  }
0x88: {  	v1 =	vld [tilespmem:s2+$0x0];
	[tilespmem:s0+$0xFFFFFF90] =	vst v4;
	s0 =	sadd.s32 $0x400, s0  }
0x89: {  	v2 =	vld [tilespmem:s2+$0x10];
	[tilespmem:s0+$0x0] =	vst v5  }
0x8a: {  	[tilespmem:s0+$0xFFFFFFA0] =	vst v6;
	v3 =	vld [tilespmem:s2+$0x20]  }
0x8b: {  	v4 =	vld [tilespmem:s2+$0xFFFFFFC0];
	[tilespmem:s0+$0xFFFFFFB0] =	vst v7;
	s2 =	sadd.s32 $0x400, s2  }
.Ltmp5:
0x8c: {  	[tilespmem:s0+$0xFFFFFFC0] =	vst v0;
	(pc) =	sbr.rel @p3 .LBB2_4-.Ltmp5, $4  }
0x8d: {  	[tilespmem:s0+$0xFFFFFFD0] =	vst v1  }
0x8e: {  	[tilespmem:s0+$0xFFFFFFE0] =	vst v2  }
0x8f: {  	[tilespmem:s0+$0xFFFFFFF0] =	vst v3  }
0x90: {  	s26 =	simm.s32 $0x4;
	p4 =	por $0x0, $0x0;
	[tilespmem:s0+$0xFFFFFF90] =	vst v4  }
0x91: {  	s26 =	simm.s32 $0x0;
	p4 =	por $0x1, $0x1  }
0x92: {  	[hbm4b:s11+s26] =	stream.linear.scatter [tilespmem:s20], [sflag:$0x1], $0x2000, $0x38;
	[tilespmem:$0x1E200] =	vst v63  }
.LBB2_14:
0x93: {  	s0 =	sld [smem:s26+$0x8];
	_ =	sdelay $0x2  }
0x94: {  	s2 =	sshll.u32 s0, $0xC;
	s0 =	sand.u32 $0x7, s0  }
0x95: {  	s2 =	sand.u32 $0xFFFF8000, s2;
	s0 =	sshll.u32 s0, $0x9  }
0x96: {  	s0 =	sor.u32 s0, s2  }
0x97: {  	s0 =	sshra.s32 s0, $0x2  }
0x98: {  	s30 =	sadd.s32 $0x240, s0  }
0x99: {  	v3 =	vld [tilespmem:s30+$0x30]  }
0x9a: {  	v4 =	vld [tilespmem:s30+$0xFFFFFFD0]  }
0x9b: {  	s31 =	sshll.u32 s26, $0x9;
	v5 =	vld [tilespmem:s30+$0xFFFFFFE0]  }
0x9c: {  	s28 =	sshra.s32 s31, $0x2;
	v2 =	vld [tilespmem:s30+$0xFFFFFFF0]  }
0x9d: {  	s0 =	sadd.s32 $0x1C240, s28;
	v0 =	vld [tilespmem:s30+$0x0]  }
0x9e: {  	v1 =	vld [tilespmem:s30+$0x10];
	[tilespmem:s0+$0x30] =	vst v3  }
0x9f: {  	[tilespmem:s0+$0xFFFFFFD0] =	vst v4;
	v3 =	vld [tilespmem:s30+$0x20]  }
0xa0: {  	p3 =	por p4, p4;
	s29 =	simm.s32 $0x0;
	s2 =	sadd.s32 $0x400, s30;
	v4 =	vld [tilespmem:s30+$0xFFFFFFC0];
	[tilespmem:s0+$0xFFFFFFE0] =	vst v5  }
.LBB2_15:
0xa1: {  	v5 =	vld [tilespmem:s2+$0x30];
	s29 =	sadd.s32 $0x8, s29;
	[tilespmem:s0+$0xFFFFFFF0] =	vst v2  }
0xa2: {  	v6 =	vld [tilespmem:s2+$0xFFFFFFD0];
	p4 =	slt.u32 s29, $0x38;
	[tilespmem:s0+$0x0] =	vst v0  }
0xa3: {  	v7 =	vld [tilespmem:s2+$0xFFFFFFE0];
	[tilespmem:s0+$0x10] =	vst v1  }
.Ltmp6:
0xa4: {  	v2 =	vld [tilespmem:s2+$0xFFFFFFF0];
	[tilespmem:s0+$0x20] =	vst v3;
	(pc) =	sbr.rel @p4 .LBB2_15-.Ltmp6, $4  }
0xa5: {  	v0 =	vld [tilespmem:s2+$0x0];
	[tilespmem:s0+$0xFFFFFFC0] =	vst v4;
	s0 =	sadd.s32 $0x400, s0  }
0xa6: {  	v1 =	vld [tilespmem:s2+$0x10];
	[tilespmem:s0+$0x30] =	vst v5  }
0xa7: {  	[tilespmem:s0+$0xFFFFFFD0] =	vst v6;
	v3 =	vld [tilespmem:s2+$0x20]  }
0xa8: {  	v4 =	vld [tilespmem:s2+$0xFFFFFFC0];
	[tilespmem:s0+$0xFFFFFFE0] =	vst v7;
	s2 =	sadd.s32 $0x400, s2  }
0xa9: {  	s2 =	sld [smem:s26+$0x9];
	_ =	sdelay $0x2  }
0xaa: {  	s9 =	sshll.u32 s2, $0xC;
	s2 =	sand.u32 $0x7, s2  }
0xab: {  	s9 =	sand.u32 $0xFFFF8000, s9;
	s2 =	sshll.u32 s2, $0x9  }
0xac: {  	s2 =	sor.u32 s2, s9  }
0xad: {  	s2 =	sshra.s32 s2, $0x2  }
0xae: {  	s2 =	sadd.s32 $0x240, s2  }
0xaf: {  	[tilespmem:s0+$0xFFFFFFF0] =	vst v2;
	v5 =	vld [tilespmem:s2+$0x30]  }
0xb0: {  	[tilespmem:s0+$0x0] =	vst v0;
	v6 =	vld [tilespmem:s2+$0xFFFFFFD0]  }
0xb1: {  	[tilespmem:s0+$0x10] =	vst v1;
	v7 =	vld [tilespmem:s2+$0xFFFFFFE0]  }
0xb2: {  	[tilespmem:s0+$0x20] =	vst v3;
	v0 =	vld [tilespmem:s2+$0xFFFFFFF0]  }
0xb3: {  	[tilespmem:s0+$0xFFFFFFC0] =	vst v4;
	s0 =	sadd.s32 $0x1C2F0, s28;
	v1 =	vld [tilespmem:s2+$0x0]  }
0xb4: {  	v2 =	vld [tilespmem:s2+$0x10];
	[tilespmem:s0+$0x0] =	vst v5  }
0xb5: {  	v4 =	vld [tilespmem:s2+$0x20];
	[tilespmem:s0+$0xFFFFFFA0] =	vst v6  }
0xb6: {  	s29 =	simm.s32 $0x0;
	v3 =	vld [tilespmem:s2+$0xFFFFFFC0];
	s2 =	sadd.s32 $0x400, s2;
	[tilespmem:s0+$0xFFFFFFB0] =	vst v7  }
.LBB2_17:
0xb7: {  	v5 =	vld [tilespmem:s2+$0x30];
	s29 =	sadd.s32 $0x8, s29;
	[tilespmem:s0+$0xFFFFFFC0] =	vst v0  }
0xb8: {  	v6 =	vld [tilespmem:s2+$0xFFFFFFD0];
	p4 =	slt.u32 s29, $0x38;
	[tilespmem:s0+$0xFFFFFFD0] =	vst v1  }
0xb9: {  	v7 =	vld [tilespmem:s2+$0xFFFFFFE0];
	[tilespmem:s0+$0xFFFFFFE0] =	vst v2  }
.Ltmp7:
0xba: {  	v0 =	vld [tilespmem:s2+$0xFFFFFFF0];
	[tilespmem:s0+$0xFFFFFFF0] =	vst v4;
	(pc) =	sbr.rel @p4 .LBB2_17-.Ltmp7, $4  }
0xbb: {  	v1 =	vld [tilespmem:s2+$0x0];
	[tilespmem:s0+$0xFFFFFF90] =	vst v3;
	s0 =	sadd.s32 $0x400, s0  }
0xbc: {  	v2 =	vld [tilespmem:s2+$0x10];
	[tilespmem:s0+$0x0] =	vst v5  }
0xbd: {  	[tilespmem:s0+$0xFFFFFFA0] =	vst v6;
	v4 =	vld [tilespmem:s2+$0x20]  }
0xbe: {  	v3 =	vld [tilespmem:s2+$0xFFFFFFC0];
	[tilespmem:s0+$0xFFFFFFB0] =	vst v7;
	s2 =	sadd.s32 $0x400, s2  }
0xbf: {  	s2 =	sld [smem:s26+$0xA];
	_ =	sdelay $0x2  }
0xc0: {  	s9 =	sshll.u32 s2, $0xC;
	s2 =	sand.u32 $0x7, s2  }
0xc1: {  	s9 =	sand.u32 $0xFFFF8000, s9;
	s2 =	sshll.u32 s2, $0x9  }
0xc2: {  	s2 =	sor.u32 s2, s9  }
0xc3: {  	s2 =	sshra.s32 s2, $0x2  }
0xc4: {  	s2 =	sadd.s32 $0x240, s2  }
0xc5: {  	[tilespmem:s0+$0xFFFFFFC0] =	vst v0;
	v5 =	vld [tilespmem:s2+$0x30]  }
0xc6: {  	[tilespmem:s0+$0xFFFFFFD0] =	vst v1;
	v6 =	vld [tilespmem:s2+$0xFFFFFFD0]  }
0xc7: {  	[tilespmem:s0+$0xFFFFFFE0] =	vst v2;
	v7 =	vld [tilespmem:s2+$0xFFFFFFE0]  }
0xc8: {  	[tilespmem:s0+$0xFFFFFFF0] =	vst v4;
	v0 =	vld [tilespmem:s2+$0xFFFFFFF0]  }
0xc9: {  	[tilespmem:s0+$0xFFFFFF90] =	vst v3;
	s0 =	sadd.s32 $0x1C370, s28;
	v1 =	vld [tilespmem:s2+$0x0]  }
0xca: {  	v2 =	vld [tilespmem:s2+$0x10];
	[tilespmem:s0+$0x0] =	vst v5  }
0xcb: {  	v4 =	vld [tilespmem:s2+$0x20];
	[tilespmem:s0+$0xFFFFFFA0] =	vst v6  }
0xcc: {  	s29 =	simm.s32 $0x0;
	v3 =	vld [tilespmem:s2+$0xFFFFFFC0];
	s2 =	sadd.s32 $0x400, s2;
	[tilespmem:s0+$0xFFFFFFB0] =	vst v7  }
.LBB2_19:
0xcd: {  	v5 =	vld [tilespmem:s2+$0x30];
	s29 =	sadd.s32 $0x8, s29;
	[tilespmem:s0+$0xFFFFFFC0] =	vst v0  }
0xce: {  	v6 =	vld [tilespmem:s2+$0xFFFFFFD0];
	p4 =	slt.u32 s29, $0x38;
	[tilespmem:s0+$0xFFFFFFD0] =	vst v1  }
0xcf: {  	v7 =	vld [tilespmem:s2+$0xFFFFFFE0];
	[tilespmem:s0+$0xFFFFFFE0] =	vst v2  }
.Ltmp8:
0xd0: {  	v0 =	vld [tilespmem:s2+$0xFFFFFFF0];
	[tilespmem:s0+$0xFFFFFFF0] =	vst v4;
	(pc) =	sbr.rel @p4 .LBB2_19-.Ltmp8, $4  }
0xd1: {  	v1 =	vld [tilespmem:s2+$0x0];
	[tilespmem:s0+$0xFFFFFF90] =	vst v3;
	s0 =	sadd.s32 $0x400, s0  }
0xd2: {  	v2 =	vld [tilespmem:s2+$0x10];
	[tilespmem:s0+$0x0] =	vst v5  }
0xd3: {  	[tilespmem:s0+$0xFFFFFFA0] =	vst v6;
	v4 =	vld [tilespmem:s2+$0x20]  }
0xd4: {  	v3 =	vld [tilespmem:s2+$0xFFFFFFC0];
	[tilespmem:s0+$0xFFFFFFB0] =	vst v7;
	s2 =	sadd.s32 $0x400, s2  }
0xd5: {  	s2 =	sld [smem:s26+$0xB];
	_ =	sdelay $0x2  }
0xd6: {  	s9 =	sshll.u32 s2, $0xC;
	s2 =	sand.u32 $0x7, s2  }
0xd7: {  	s9 =	sand.u32 $0xFFFF8000, s9;
	s2 =	sshll.u32 s2, $0x9  }
0xd8: {  	s2 =	sor.u32 s2, s9  }
0xd9: {  	s2 =	sshra.s32 s2, $0x2  }
0xda: {  	s2 =	sadd.s32 $0x240, s2  }
0xdb: {  	[tilespmem:s0+$0xFFFFFFC0] =	vst v0;
	v5 =	vld [tilespmem:s2+$0x30]  }
0xdc: {  	[tilespmem:s0+$0xFFFFFFD0] =	vst v1;
	v6 =	vld [tilespmem:s2+$0xFFFFFFD0]  }
0xdd: {  	[tilespmem:s0+$0xFFFFFFE0] =	vst v2;
	v7 =	vld [tilespmem:s2+$0xFFFFFFE0]  }
0xde: {  	[tilespmem:s0+$0xFFFFFFF0] =	vst v4;
	v0 =	vld [tilespmem:s2+$0xFFFFFFF0]  }
0xdf: {  	[tilespmem:s0+$0xFFFFFF90] =	vst v3;
	s0 =	sadd.s32 $0x1C3F0, s28;
	v1 =	vld [tilespmem:s2+$0x0]  }
0xe0: {  	v2 =	vld [tilespmem:s2+$0x10];
	[tilespmem:s0+$0x0] =	vst v5  }
0xe1: {  	v3 =	vld [tilespmem:s2+$0x20];
	[tilespmem:s0+$0xFFFFFFA0] =	vst v6  }
0xe2: {  	s26 =	simm.s32 $0x0;
	v4 =	vld [tilespmem:s2+$0xFFFFFFC0];
	s2 =	sadd.s32 $0x400, s2;
	[tilespmem:s0+$0xFFFFFFB0] =	vst v7  }
.LBB2_21:
0xe3: {  	v5 =	vld [tilespmem:s2+$0x30];
	s26 =	sadd.s32 $0x8, s26;
	[tilespmem:s0+$0xFFFFFFC0] =	vst v0  }
0xe4: {  	v6 =	vld [tilespmem:s2+$0xFFFFFFD0];
	p4 =	slt.u32 s26, $0x38;
	[tilespmem:s0+$0xFFFFFFD0] =	vst v1  }
0xe5: {  	v7 =	vld [tilespmem:s2+$0xFFFFFFE0];
	[tilespmem:s0+$0xFFFFFFE0] =	vst v2  }
.Ltmp9:
0xe6: {  	v0 =	vld [tilespmem:s2+$0xFFFFFFF0];
	[tilespmem:s0+$0xFFFFFFF0] =	vst v3;
	(pc) =	sbr.rel @p4 .LBB2_21-.Ltmp9, $4  }
0xe7: {  	v1 =	vld [tilespmem:s2+$0x0];
	[tilespmem:s0+$0xFFFFFF90] =	vst v4;
	s0 =	sadd.s32 $0x400, s0  }
0xe8: {  	v2 =	vld [tilespmem:s2+$0x10];
	[tilespmem:s0+$0x0] =	vst v5  }
0xe9: {  	[tilespmem:s0+$0xFFFFFFA0] =	vst v6;
	v3 =	vld [tilespmem:s2+$0x20]  }
0xea: {  	v4 =	vld [tilespmem:s2+$0xFFFFFFC0];
	[tilespmem:s0+$0xFFFFFFB0] =	vst v7;
	s2 =	sadd.s32 $0x400, s2  }
.Ltmp10:
0xeb: {  	[tilespmem:s0+$0xFFFFFFC0] =	vst v0;
	(pc) =	sbr.rel @p3 .LBB2_14-.Ltmp10, $4  }
0xec: {  	[tilespmem:s0+$0xFFFFFFD0] =	vst v1  }
0xed: {  	[tilespmem:s0+$0xFFFFFFE0] =	vst v2  }
0xee: {  	[tilespmem:s0+$0xFFFFFFF0] =	vst v3  }
0xef: {  	s26 =	simm.s32 $0x4;
	p4 =	por $0x0, $0x0;
	[tilespmem:s0+$0xFFFFFF90] =	vst v4  }
0xf0: {  	[hbm4b:s12+s3] =	stream.linear.scatter [tilespmem:s22], [sflag:$0x2], $0x2000, $0x38;
	[tilespmem:$0x1E200] =	vst v63  }
0xf1: {  	s26 =	simm.s32 $0x1  }
.LBB2_24:
0xf2: {  	_ =	swait.ge [sflag:s23], $0x2000  }
0xf3: {  	s0 =	sshll.u32 s26, $0x4;
	s30 =	simm.s32 $0x0;
	[sflag:s23] =	ssyncset.done $0x0  }
0xf4: {  	p4 =	por $0x1, $0x1;
	s28 =	sand.u32 $0x3FFFFFF0, s0;
	[sflag:s23] =	ssyncadd.s32 $0xFFFFE000  }
.LBB2_25:
0xf5: {  	s0 =	sld [smem:s28+s30];
	_ =	sdelay $0x2  }
0xf6: {  	s2 =	sshll.u32 s0, $0xC;
	s0 =	sand.u32 $0x7, s0  }
0xf7: {  	s2 =	sand.u32 $0xFFFF8000, s2;
	s0 =	sshll.u32 s0, $0x9  }
0xf8: {  	s0 =	sor.u32 s0, s2  }
0xf9: {  	s0 =	sshra.s32 s0, $0x2  }
0xfa: {  	s2 =	sadd.s32 $0x240, s0  }
0xfb: {  	v3 =	vld [tilespmem:s2+$0x30]  }
0xfc: {  	v4 =	vld [tilespmem:s2+$0xFFFFFFD0]  }
0xfd: {  	s9 =	sshll.u32 s30, $0x9;
	v5 =	vld [tilespmem:s2+$0xFFFFFFE0]  }
0xfe: {  	s29 =	sshra.s32 s9, $0x2;
	v2 =	vld [tilespmem:s2+$0xFFFFFFF0]  }
0xff: {  	s31 =	sadd.s32 $0x1A240, s29;
	v0 =	vld [tilespmem:s2+$0x0]  }
0x100: {  	v1 =	vld [tilespmem:s2+$0x10];
	[tilespmem:s31+$0x30] =	vst v3  }
0x101: {  	[tilespmem:s31+$0xFFFFFFD0] =	vst v4;
	v3 =	vld [tilespmem:s2+$0x20]  }
0x102: {  	p3 =	por p4, p4;
	s0 =	simm.s32 $0x0;
	v4 =	vld [tilespmem:s2+$0xFFFFFFC0];
	[tilespmem:s31+$0xFFFFFFE0] =	vst v5;
	s2 =	sadd.s32 $0x400, s2  }
.LBB2_26:
0x103: {  	v5 =	vld [tilespmem:s2+$0x30];
	s0 =	sadd.s32 $0x8, s0;
	[tilespmem:s31+$0xFFFFFFF0] =	vst v2  }
0x104: {  	v6 =	vld [tilespmem:s2+$0xFFFFFFD0];
	p4 =	slt.u32 s0, $0x38;
	[tilespmem:s31+$0x0] =	vst v0  }
0x105: {  	v7 =	vld [tilespmem:s2+$0xFFFFFFE0];
	[tilespmem:s31+$0x10] =	vst v1  }
.Ltmp11:
0x106: {  	v2 =	vld [tilespmem:s2+$0xFFFFFFF0];
	[tilespmem:s31+$0x20] =	vst v3;
	(pc) =	sbr.rel @p4 .LBB2_26-.Ltmp11, $4  }
0x107: {  	v0 =	vld [tilespmem:s2+$0x0];
	[tilespmem:s31+$0xFFFFFFC0] =	vst v4;
	s31 =	sadd.s32 $0x400, s31  }
0x108: {  	v1 =	vld [tilespmem:s2+$0x10];
	[tilespmem:s31+$0x30] =	vst v5  }
0x109: {  	[tilespmem:s31+$0xFFFFFFD0] =	vst v6;
	v3 =	vld [tilespmem:s2+$0x20]  }
0x10a: {  	v4 =	vld [tilespmem:s2+$0xFFFFFFC0];
	[tilespmem:s31+$0xFFFFFFE0] =	vst v7;
	s2 =	sadd.s32 $0x400, s2  }
0x10b: {  	s30 =	sadd.s32 s30, s28  }
0x10c: {  	s0 =	sld [smem:s30+$0x1];
	_ =	sdelay $0x2  }
0x10d: {  	s2 =	sshll.u32 s0, $0xC;
	s0 =	sand.u32 $0x7, s0  }
0x10e: {  	s2 =	sand.u32 $0xFFFF8000, s2;
	s0 =	sshll.u32 s0, $0x9  }
0x10f: {  	s0 =	sor.u32 s0, s2  }
0x110: {  	s0 =	sshra.s32 s0, $0x2  }
0x111: {  	s9 =	sadd.s32 $0x240, s0  }
0x112: {  	[tilespmem:s31+$0xFFFFFFF0] =	vst v2;
	v5 =	vld [tilespmem:s9+$0x30]  }
0x113: {  	[tilespmem:s31+$0x0] =	vst v0;
	v6 =	vld [tilespmem:s9+$0xFFFFFFD0]  }
0x114: {  	[tilespmem:s31+$0x10] =	vst v1;
	v7 =	vld [tilespmem:s9+$0xFFFFFFE0]  }
0x115: {  	[tilespmem:s31+$0x20] =	vst v3;
	v0 =	vld [tilespmem:s9+$0xFFFFFFF0]  }
0x116: {  	[tilespmem:s31+$0xFFFFFFC0] =	vst v4;
	s0 =	sadd.s32 $0x1A2F0, s29;
	v1 =	vld [tilespmem:s9+$0x0]  }
0x117: {  	v2 =	vld [tilespmem:s9+$0x10];
	[tilespmem:s0+$0x0] =	vst v5  }
0x118: {  	v4 =	vld [tilespmem:s9+$0x20];
	[tilespmem:s0+$0xFFFFFFA0] =	vst v6  }
0x119: {  	s31 =	simm.s32 $0x0;
	v3 =	vld [tilespmem:s9+$0xFFFFFFC0];
	s2 =	sadd.s32 $0x400, s9;
	[tilespmem:s0+$0xFFFFFFB0] =	vst v7  }
.LBB2_28:
0x11a: {  	v5 =	vld [tilespmem:s2+$0x30];
	s31 =	sadd.s32 $0x8, s31;
	[tilespmem:s0+$0xFFFFFFC0] =	vst v0  }
0x11b: {  	v6 =	vld [tilespmem:s2+$0xFFFFFFD0];
	p4 =	slt.u32 s31, $0x38;
	[tilespmem:s0+$0xFFFFFFD0] =	vst v1  }
0x11c: {  	v7 =	vld [tilespmem:s2+$0xFFFFFFE0];
	[tilespmem:s0+$0xFFFFFFE0] =	vst v2  }
.Ltmp12:
0x11d: {  	v0 =	vld [tilespmem:s2+$0xFFFFFFF0];
	[tilespmem:s0+$0xFFFFFFF0] =	vst v4;
	(pc) =	sbr.rel @p4 .LBB2_28-.Ltmp12, $4  }
0x11e: {  	v1 =	vld [tilespmem:s2+$0x0];
	[tilespmem:s0+$0xFFFFFF90] =	vst v3;
	s0 =	sadd.s32 $0x400, s0  }
0x11f: {  	v2 =	vld [tilespmem:s2+$0x10];
	[tilespmem:s0+$0x0] =	vst v5  }
0x120: {  	[tilespmem:s0+$0xFFFFFFA0] =	vst v6;
	v4 =	vld [tilespmem:s2+$0x20]  }
0x121: {  	v3 =	vld [tilespmem:s2+$0xFFFFFFC0];
	[tilespmem:s0+$0xFFFFFFB0] =	vst v7;
	s2 =	sadd.s32 $0x400, s2  }
0x122: {  	s2 =	sld [smem:s30+$0x2];
	_ =	sdelay $0x2  }
0x123: {  	s9 =	sshll.u32 s2, $0xC;
	s2 =	sand.u32 $0x7, s2  }
0x124: {  	s9 =	sand.u32 $0xFFFF8000, s9;
	s2 =	sshll.u32 s2, $0x9  }
0x125: {  	s2 =	sor.u32 s2, s9  }
0x126: {  	s2 =	sshra.s32 s2, $0x2  }
0x127: {  	s2 =	sadd.s32 $0x240, s2  }
0x128: {  	[tilespmem:s0+$0xFFFFFFC0] =	vst v0;
	v5 =	vld [tilespmem:s2+$0x30]  }
0x129: {  	[tilespmem:s0+$0xFFFFFFD0] =	vst v1;
	v6 =	vld [tilespmem:s2+$0xFFFFFFD0]  }
0x12a: {  	[tilespmem:s0+$0xFFFFFFE0] =	vst v2;
	v7 =	vld [tilespmem:s2+$0xFFFFFFE0]  }
0x12b: {  	[tilespmem:s0+$0xFFFFFFF0] =	vst v4;
	v0 =	vld [tilespmem:s2+$0xFFFFFFF0]  }
0x12c: {  	[tilespmem:s0+$0xFFFFFF90] =	vst v3;
	s0 =	sadd.s32 $0x1A370, s29;
	v1 =	vld [tilespmem:s2+$0x0]  }
0x12d: {  	v2 =	vld [tilespmem:s2+$0x10];
	[tilespmem:s0+$0x0] =	vst v5  }
0x12e: {  	v4 =	vld [tilespmem:s2+$0x20];
	[tilespmem:s0+$0xFFFFFFA0] =	vst v6  }
0x12f: {  	s31 =	simm.s32 $0x0;
	v3 =	vld [tilespmem:s2+$0xFFFFFFC0];
	s2 =	sadd.s32 $0x400, s2;
	[tilespmem:s0+$0xFFFFFFB0] =	vst v7  }
.LBB2_30:
0x130: {  	v5 =	vld [tilespmem:s2+$0x30];
	s31 =	sadd.s32 $0x8, s31;
	[tilespmem:s0+$0xFFFFFFC0] =	vst v0  }
0x131: {  	v6 =	vld [tilespmem:s2+$0xFFFFFFD0];
	p4 =	slt.u32 s31, $0x38;
	[tilespmem:s0+$0xFFFFFFD0] =	vst v1  }
0x132: {  	v7 =	vld [tilespmem:s2+$0xFFFFFFE0];
	[tilespmem:s0+$0xFFFFFFE0] =	vst v2  }
.Ltmp13:
0x133: {  	v0 =	vld [tilespmem:s2+$0xFFFFFFF0];
	[tilespmem:s0+$0xFFFFFFF0] =	vst v4;
	(pc) =	sbr.rel @p4 .LBB2_30-.Ltmp13, $4  }
0x134: {  	v1 =	vld [tilespmem:s2+$0x0];
	[tilespmem:s0+$0xFFFFFF90] =	vst v3;
	s0 =	sadd.s32 $0x400, s0  }
0x135: {  	v2 =	vld [tilespmem:s2+$0x10];
	[tilespmem:s0+$0x0] =	vst v5  }
0x136: {  	[tilespmem:s0+$0xFFFFFFA0] =	vst v6;
	v4 =	vld [tilespmem:s2+$0x20]  }
0x137: {  	v3 =	vld [tilespmem:s2+$0xFFFFFFC0];
	[tilespmem:s0+$0xFFFFFFB0] =	vst v7;
	s2 =	sadd.s32 $0x400, s2  }
0x138: {  	s2 =	sld [smem:s30+$0x3];
	_ =	sdelay $0x2  }
0x139: {  	s9 =	sshll.u32 s2, $0xC;
	s2 =	sand.u32 $0x7, s2  }
0x13a: {  	s9 =	sand.u32 $0xFFFF8000, s9;
	s2 =	sshll.u32 s2, $0x9  }
0x13b: {  	s2 =	sor.u32 s2, s9  }
0x13c: {  	s2 =	sshra.s32 s2, $0x2  }
0x13d: {  	s2 =	sadd.s32 $0x240, s2  }
0x13e: {  	[tilespmem:s0+$0xFFFFFFC0] =	vst v0;
	v5 =	vld [tilespmem:s2+$0x30]  }
0x13f: {  	[tilespmem:s0+$0xFFFFFFD0] =	vst v1;
	v6 =	vld [tilespmem:s2+$0xFFFFFFD0]  }
0x140: {  	[tilespmem:s0+$0xFFFFFFE0] =	vst v2;
	v7 =	vld [tilespmem:s2+$0xFFFFFFE0]  }
0x141: {  	[tilespmem:s0+$0xFFFFFFF0] =	vst v4;
	v0 =	vld [tilespmem:s2+$0xFFFFFFF0]  }
0x142: {  	[tilespmem:s0+$0xFFFFFF90] =	vst v3;
	s0 =	sadd.s32 $0x1A3F0, s29;
	v1 =	vld [tilespmem:s2+$0x0]  }
0x143: {  	v2 =	vld [tilespmem:s2+$0x10];
	[tilespmem:s0+$0x0] =	vst v5  }
0x144: {  	v3 =	vld [tilespmem:s2+$0x20];
	[tilespmem:s0+$0xFFFFFFA0] =	vst v6  }
0x145: {  	s29 =	simm.s32 $0x0;
	v4 =	vld [tilespmem:s2+$0xFFFFFFC0];
	s2 =	sadd.s32 $0x400, s2;
	[tilespmem:s0+$0xFFFFFFB0] =	vst v7  }
.LBB2_32:
0x146: {  	v5 =	vld [tilespmem:s2+$0x30];
	s29 =	sadd.s32 $0x8, s29;
	[tilespmem:s0+$0xFFFFFFC0] =	vst v0  }
0x147: {  	v6 =	vld [tilespmem:s2+$0xFFFFFFD0];
	p4 =	slt.u32 s29, $0x38;
	[tilespmem:s0+$0xFFFFFFD0] =	vst v1  }
0x148: {  	v7 =	vld [tilespmem:s2+$0xFFFFFFE0];
	[tilespmem:s0+$0xFFFFFFE0] =	vst v2  }
.Ltmp14:
0x149: {  	v0 =	vld [tilespmem:s2+$0xFFFFFFF0];
	[tilespmem:s0+$0xFFFFFFF0] =	vst v3;
	(pc) =	sbr.rel @p4 .LBB2_32-.Ltmp14, $4  }
0x14a: {  	v1 =	vld [tilespmem:s2+$0x0];
	[tilespmem:s0+$0xFFFFFF90] =	vst v4;
	s0 =	sadd.s32 $0x400, s0  }
0x14b: {  	v2 =	vld [tilespmem:s2+$0x10];
	[tilespmem:s0+$0x0] =	vst v5  }
0x14c: {  	[tilespmem:s0+$0xFFFFFFA0] =	vst v6;
	v3 =	vld [tilespmem:s2+$0x20]  }
0x14d: {  	v4 =	vld [tilespmem:s2+$0xFFFFFFC0];
	[tilespmem:s0+$0xFFFFFFB0] =	vst v7;
	s2 =	sadd.s32 $0x400, s2  }
.Ltmp15:
0x14e: {  	[tilespmem:s0+$0xFFFFFFC0] =	vst v0;
	(pc) =	sbr.rel @p3 .LBB2_25-.Ltmp15, $4  }
0x14f: {  	[tilespmem:s0+$0xFFFFFFD0] =	vst v1  }
0x150: {  	[tilespmem:s0+$0xFFFFFFE0] =	vst v2  }
0x151: {  	[tilespmem:s0+$0xFFFFFFF0] =	vst v3  }
0x152: {  	s30 =	simm.s32 $0x4;
	p4 =	por $0x0, $0x0;
	[tilespmem:s0+$0xFFFFFF90] =	vst v4  }
0x153: {  	s0 =	sshll.u32 s26, $0xF  }
0x154: {  	s0 =	sadd.s32 s8, s0  }
0x155: {  	s0 =	sshrl.u32 s0, $0x3  }
0x156: {  	s31 =	simm.s32 $0x0;
	s0 =	sadd.s32 s1, s0  }
0x157: {  	[hbm4b:s0+s31] =	stream.linear.scatter [tilespmem:s20], [sflag:$0x1], $0x2000, $0x38;
	[tilespmem:$0x1E200] =	vst v63  }
0x158: {  	s28 =	sshllo.u32 s26, $0x1;
	_ =	swait.ge [sflag:s24], $0x2000  }
0x159: {  	s30 =	sshll.u32 s28, $0x3;
	[sflag:s24] =	ssyncset.done $0x0  }
0x15a: {  	p4 =	por $0x1, $0x1;
	s29 =	sand.u32 $0x3FFFFFF8, s30;
	[sflag:s24] =	ssyncadd.s32 $0xFFFFE000  }
.LBB2_35:
0x15b: {  	s0 =	sld [smem:s29+s31];
	_ =	sdelay $0x2  }
0x15c: {  	s2 =	sshll.u32 s0, $0xC;
	s0 =	sand.u32 $0x7, s0  }
0x15d: {  	s2 =	sand.u32 $0xFFFF8000, s2;
	s0 =	sshll.u32 s0, $0x9  }
0x15e: {  	s0 =	sor.u32 s0, s2  }
0x15f: {  	s0 =	sshra.s32 s0, $0x2  }
0x160: {  	s9 =	sadd.s32 $0x240, s0  }
0x161: {  	v3 =	vld [tilespmem:s9+$0x30]  }
0x162: {  	v4 =	vld [tilespmem:s9+$0xFFFFFFD0]  }
0x163: {  	s2 =	sshll.u32 s31, $0x9;
	v5 =	vld [tilespmem:s9+$0xFFFFFFE0]  }
0x164: {  	s30 =	sshra.s32 s2, $0x2;
	v2 =	vld [tilespmem:s9+$0xFFFFFFF0]  }
0x165: {  	s0 =	sadd.s32 $0x1C240, s30;
	v0 =	vld [tilespmem:s9+$0x0]  }
0x166: {  	v1 =	vld [tilespmem:s9+$0x10];
	[tilespmem:s0+$0x30] =	vst v3  }
0x167: {  	[tilespmem:s0+$0xFFFFFFD0] =	vst v4;
	v3 =	vld [tilespmem:s9+$0x20]  }
0x168: {  	p3 =	por p4, p4;
	s2 =	simm.s32 $0x0;
	v4 =	vld [tilespmem:s9+$0xFFFFFFC0];
	[tilespmem:s0+$0xFFFFFFE0] =	vst v5;
	s9 =	sadd.s32 $0x400, s9  }
.LBB2_36:
0x169: {  	v5 =	vld [tilespmem:s9+$0x30];
	s2 =	sadd.s32 $0x8, s2;
	[tilespmem:s0+$0xFFFFFFF0] =	vst v2  }
0x16a: {  	v6 =	vld [tilespmem:s9+$0xFFFFFFD0];
	p4 =	slt.u32 s2, $0x38;
	[tilespmem:s0+$0x0] =	vst v0  }
0x16b: {  	v7 =	vld [tilespmem:s9+$0xFFFFFFE0];
	[tilespmem:s0+$0x10] =	vst v1  }
.Ltmp16:
0x16c: {  	v2 =	vld [tilespmem:s9+$0xFFFFFFF0];
	[tilespmem:s0+$0x20] =	vst v3;
	(pc) =	sbr.rel @p4 .LBB2_36-.Ltmp16, $4  }
0x16d: {  	v0 =	vld [tilespmem:s9+$0x0];
	[tilespmem:s0+$0xFFFFFFC0] =	vst v4;
	s0 =	sadd.s32 $0x400, s0  }
0x16e: {  	v1 =	vld [tilespmem:s9+$0x10];
	[tilespmem:s0+$0x30] =	vst v5  }
0x16f: {  	[tilespmem:s0+$0xFFFFFFD0] =	vst v6;
	v3 =	vld [tilespmem:s9+$0x20]  }
0x170: {  	v4 =	vld [tilespmem:s9+$0xFFFFFFC0];
	[tilespmem:s0+$0xFFFFFFE0] =	vst v7;
	s9 =	sadd.s32 $0x400, s9  }
0x171: {  	s31 =	sadd.s32 s31, s29  }
0x172: {  	s2 =	sld [smem:s31+$0x1];
	_ =	sdelay $0x2  }
0x173: {  	s9 =	sshll.u32 s2, $0xC;
	s2 =	sand.u32 $0x7, s2  }
0x174: {  	s9 =	sand.u32 $0xFFFF8000, s9;
	s2 =	sshll.u32 s2, $0x9  }
0x175: {  	s2 =	sor.u32 s2, s9  }
0x176: {  	s2 =	sshra.s32 s2, $0x2  }
0x177: {  	s9 =	sadd.s32 $0x240, s2  }
0x178: {  	[tilespmem:s0+$0xFFFFFFF0] =	vst v2;
	v5 =	vld [tilespmem:s9+$0x30]  }
0x179: {  	[tilespmem:s0+$0x0] =	vst v0;
	v6 =	vld [tilespmem:s9+$0xFFFFFFD0]  }
0x17a: {  	[tilespmem:s0+$0x10] =	vst v1;
	v7 =	vld [tilespmem:s9+$0xFFFFFFE0]  }
0x17b: {  	[tilespmem:s0+$0x20] =	vst v3;
	v0 =	vld [tilespmem:s9+$0xFFFFFFF0]  }
0x17c: {  	[tilespmem:s0+$0xFFFFFFC0] =	vst v4;
	s0 =	sadd.s32 $0x1C2F0, s30;
	v1 =	vld [tilespmem:s9+$0x0]  }
0x17d: {  	v2 =	vld [tilespmem:s9+$0x10];
	[tilespmem:s0+$0x0] =	vst v5  }
0x17e: {  	v4 =	vld [tilespmem:s9+$0x20];
	[tilespmem:s0+$0xFFFFFFA0] =	vst v6  }
0x17f: {  	s2 =	simm.s32 $0x0;
	v3 =	vld [tilespmem:s9+$0xFFFFFFC0];
	s9 =	sadd.s32 $0x400, s9;
	[tilespmem:s0+$0xFFFFFFB0] =	vst v7  }
.LBB2_38:
0x180: {  	v5 =	vld [tilespmem:s9+$0x30];
	s2 =	sadd.s32 $0x8, s2;
	[tilespmem:s0+$0xFFFFFFC0] =	vst v0  }
0x181: {  	v6 =	vld [tilespmem:s9+$0xFFFFFFD0];
	p4 =	slt.u32 s2, $0x38;
	[tilespmem:s0+$0xFFFFFFD0] =	vst v1  }
0x182: {  	v7 =	vld [tilespmem:s9+$0xFFFFFFE0];
	[tilespmem:s0+$0xFFFFFFE0] =	vst v2  }
.Ltmp17:
0x183: {  	v0 =	vld [tilespmem:s9+$0xFFFFFFF0];
	[tilespmem:s0+$0xFFFFFFF0] =	vst v4;
	(pc) =	sbr.rel @p4 .LBB2_38-.Ltmp17, $4  }
0x184: {  	v1 =	vld [tilespmem:s9+$0x0];
	[tilespmem:s0+$0xFFFFFF90] =	vst v3;
	s0 =	sadd.s32 $0x400, s0  }
0x185: {  	v2 =	vld [tilespmem:s9+$0x10];
	[tilespmem:s0+$0x0] =	vst v5  }
0x186: {  	[tilespmem:s0+$0xFFFFFFA0] =	vst v6;
	v4 =	vld [tilespmem:s9+$0x20]  }
0x187: {  	v3 =	vld [tilespmem:s9+$0xFFFFFFC0];
	[tilespmem:s0+$0xFFFFFFB0] =	vst v7;
	s9 =	sadd.s32 $0x400, s9  }
0x188: {  	s2 =	sld [smem:s31+$0x2];
	_ =	sdelay $0x2  }
0x189: {  	s9 =	sshll.u32 s2, $0xC;
	s2 =	sand.u32 $0x7, s2  }
0x18a: {  	s9 =	sand.u32 $0xFFFF8000, s9;
	s2 =	sshll.u32 s2, $0x9  }
0x18b: {  	s2 =	sor.u32 s2, s9  }
0x18c: {  	s2 =	sshra.s32 s2, $0x2  }
0x18d: {  	s9 =	sadd.s32 $0x240, s2  }
0x18e: {  	[tilespmem:s0+$0xFFFFFFC0] =	vst v0;
	v5 =	vld [tilespmem:s9+$0x30]  }
0x18f: {  	[tilespmem:s0+$0xFFFFFFD0] =	vst v1;
	v6 =	vld [tilespmem:s9+$0xFFFFFFD0]  }
0x190: {  	[tilespmem:s0+$0xFFFFFFE0] =	vst v2;
	v7 =	vld [tilespmem:s9+$0xFFFFFFE0]  }
0x191: {  	[tilespmem:s0+$0xFFFFFFF0] =	vst v4;
	v0 =	vld [tilespmem:s9+$0xFFFFFFF0]  }
0x192: {  	[tilespmem:s0+$0xFFFFFF90] =	vst v3;
	s0 =	sadd.s32 $0x1C370, s30;
	v1 =	vld [tilespmem:s9+$0x0]  }
0x193: {  	v2 =	vld [tilespmem:s9+$0x10];
	[tilespmem:s0+$0x0] =	vst v5  }
0x194: {  	v4 =	vld [tilespmem:s9+$0x20];
	[tilespmem:s0+$0xFFFFFFA0] =	vst v6  }
0x195: {  	s2 =	simm.s32 $0x0;
	v3 =	vld [tilespmem:s9+$0xFFFFFFC0];
	s9 =	sadd.s32 $0x400, s9;
	[tilespmem:s0+$0xFFFFFFB0] =	vst v7  }
.LBB2_40:
0x196: {  	v5 =	vld [tilespmem:s9+$0x30];
	s2 =	sadd.s32 $0x8, s2;
	[tilespmem:s0+$0xFFFFFFC0] =	vst v0  }
0x197: {  	v6 =	vld [tilespmem:s9+$0xFFFFFFD0];
	p4 =	slt.u32 s2, $0x38;
	[tilespmem:s0+$0xFFFFFFD0] =	vst v1  }
0x198: {  	v7 =	vld [tilespmem:s9+$0xFFFFFFE0];
	[tilespmem:s0+$0xFFFFFFE0] =	vst v2  }
.Ltmp18:
0x199: {  	v0 =	vld [tilespmem:s9+$0xFFFFFFF0];
	[tilespmem:s0+$0xFFFFFFF0] =	vst v4;
	(pc) =	sbr.rel @p4 .LBB2_40-.Ltmp18, $4  }
0x19a: {  	v1 =	vld [tilespmem:s9+$0x0];
	[tilespmem:s0+$0xFFFFFF90] =	vst v3;
	s0 =	sadd.s32 $0x400, s0  }
0x19b: {  	v2 =	vld [tilespmem:s9+$0x10];
	[tilespmem:s0+$0x0] =	vst v5  }
0x19c: {  	[tilespmem:s0+$0xFFFFFFA0] =	vst v6;
	v4 =	vld [tilespmem:s9+$0x20]  }
0x19d: {  	v3 =	vld [tilespmem:s9+$0xFFFFFFC0];
	[tilespmem:s0+$0xFFFFFFB0] =	vst v7;
	s9 =	sadd.s32 $0x400, s9  }
0x19e: {  	s2 =	sld [smem:s31+$0x3];
	_ =	sdelay $0x2  }
0x19f: {  	s9 =	sshll.u32 s2, $0xC;
	s2 =	sand.u32 $0x7, s2  }
0x1a0: {  	s9 =	sand.u32 $0xFFFF8000, s9;
	s2 =	sshll.u32 s2, $0x9  }
0x1a1: {  	s2 =	sor.u32 s2, s9  }
0x1a2: {  	s2 =	sshra.s32 s2, $0x2  }
0x1a3: {  	s31 =	sadd.s32 $0x240, s2  }
0x1a4: {  	[tilespmem:s0+$0xFFFFFFC0] =	vst v0;
	v5 =	vld [tilespmem:s31+$0x30]  }
0x1a5: {  	[tilespmem:s0+$0xFFFFFFD0] =	vst v1;
	v6 =	vld [tilespmem:s31+$0xFFFFFFD0]  }
0x1a6: {  	[tilespmem:s0+$0xFFFFFFE0] =	vst v2;
	v7 =	vld [tilespmem:s31+$0xFFFFFFE0]  }
0x1a7: {  	[tilespmem:s0+$0xFFFFFFF0] =	vst v4;
	v0 =	vld [tilespmem:s31+$0xFFFFFFF0]  }
0x1a8: {  	[tilespmem:s0+$0xFFFFFF90] =	vst v3;
	s0 =	sadd.s32 $0x1C3F0, s30;
	v1 =	vld [tilespmem:s31+$0x0]  }
0x1a9: {  	v2 =	vld [tilespmem:s31+$0x10];
	[tilespmem:s0+$0x0] =	vst v5  }
0x1aa: {  	v3 =	vld [tilespmem:s31+$0x20];
	[tilespmem:s0+$0xFFFFFFA0] =	vst v6  }
0x1ab: {  	s2 =	simm.s32 $0x0;
	v4 =	vld [tilespmem:s31+$0xFFFFFFC0];
	s9 =	sadd.s32 $0x400, s31;
	[tilespmem:s0+$0xFFFFFFB0] =	vst v7  }
.LBB2_42:
0x1ac: {  	v5 =	vld [tilespmem:s9+$0x30];
	s2 =	sadd.s32 $0x8, s2;
	[tilespmem:s0+$0xFFFFFFC0] =	vst v0  }
0x1ad: {  	v6 =	vld [tilespmem:s9+$0xFFFFFFD0];
	p4 =	slt.u32 s2, $0x38;
	[tilespmem:s0+$0xFFFFFFD0] =	vst v1  }
0x1ae: {  	v7 =	vld [tilespmem:s9+$0xFFFFFFE0];
	[tilespmem:s0+$0xFFFFFFE0] =	vst v2  }
.Ltmp19:
0x1af: {  	v0 =	vld [tilespmem:s9+$0xFFFFFFF0];
	[tilespmem:s0+$0xFFFFFFF0] =	vst v3;
	(pc) =	sbr.rel @p4 .LBB2_42-.Ltmp19, $4  }
0x1b0: {  	v1 =	vld [tilespmem:s9+$0x0];
	[tilespmem:s0+$0xFFFFFF90] =	vst v4;
	s0 =	sadd.s32 $0x400, s0  }
0x1b1: {  	v2 =	vld [tilespmem:s9+$0x10];
	[tilespmem:s0+$0x0] =	vst v5  }
0x1b2: {  	[tilespmem:s0+$0xFFFFFFA0] =	vst v6;
	v3 =	vld [tilespmem:s9+$0x20]  }
0x1b3: {  	v4 =	vld [tilespmem:s9+$0xFFFFFFC0];
	[tilespmem:s0+$0xFFFFFFB0] =	vst v7;
	s9 =	sadd.s32 $0x400, s9  }
.Ltmp20:
0x1b4: {  	[tilespmem:s0+$0xFFFFFFC0] =	vst v0;
	(pc) =	sbr.rel @p3 .LBB2_35-.Ltmp20, $4  }
0x1b5: {  	[tilespmem:s0+$0xFFFFFFD0] =	vst v1  }
0x1b6: {  	[tilespmem:s0+$0xFFFFFFE0] =	vst v2  }
0x1b7: {  	[tilespmem:s0+$0xFFFFFFF0] =	vst v3  }
0x1b8: {  	s31 =	simm.s32 $0x4;
	p4 =	por $0x0, $0x0;
	[tilespmem:s0+$0xFFFFFF90] =	vst v4  }
0x1b9: {  	s26 =	sadd.s32 $0x1, s26  }
0x1ba: {  	s0 =	sadd.s32 s13, s28;
	p3 =	sne.s32 s26, $0x20  }
.Ltmp21:
0x1bb: {  	s0 =	sshll.u32 s0, $0xE;
	(pc) =	sbr.rel @p3 .LBB2_24-.Ltmp21, $4  }
0x1bc: {  	s0 =	sor.u32 s6, s0  }
0x1bd: {  	s0 =	sshrl.u32 s0, $0x3  }
0x1be: {  	s0 =	sadd.s32 s1, s0  }
0x1bf: {  	[hbm4b:s0+s3] =	stream.linear.scatter [tilespmem:s22], [sflag:$0x2], $0x2000, $0x38;
	[tilespmem:$0x1E200] =	vst v63  }
0x1c0: {  	s25 =	sadd.s32 $0x1, s25  }
0x1c1: {  	_ =	swait.ge [sflag:s23], $0x2000;
	p3 =	sne.s32 s25, s14  }
.Ltmp22:
0x1c2: {  	[sflag:s23] =	ssyncset.done $0x0;
	(pc) =	sbr.rel @p3 .LBB2_1-.Ltmp22, $4  }
0x1c3: {  	[sflag:s23] =	ssyncadd.s32 $0xFFFFE000  }
0x1c4: {  	_ =	swait.ge [sflag:s24], $0x2000  }
0x1c5: {  	[sflag:s24] =	ssyncset.done $0x0  }
0x1c6: {  	[sflag:s24] =	ssyncadd.s32 $0xFFFFE000  }
0x1c7: {  	_ =	sfence.sel $0x180000  }
0x1c8: {  	[bflag:$0x0] =	sbarrier.arrive $0xFFFF  }
0x1c9: {  	_ =	strace $0x90000047  }
0x1ca: {  	s0 =	stileid.u32;
	[bflag:$0x2] =	sbarrier.arrive $0xFFFF  }
0x1cb: {  	p0 =	sne.s32 s0, $0x0;
	s0 =	rddreg [dreg:$0x3]  }
0x1cc: {  	s0 =	sadd.s32 @!p0 $0x100000, s0  }
0x1cd: {  	[sflag:s0] =	ssyncadd.tile.s32 @!p0 $0x1;
	_ =	shalt  }
.Lfunc_end2:
_tile_overlayer_lowered:
.L_overlay_start_2:
0x1ce: {  	(tag) =	ssettag $0x2  }
0x1cf: {  	s0 =	rddreg [dreg:$0x0];
	s2 =	stileid.u32  }
0x1d0: {  	s1 =	rddreg [dreg:$0x1];
	p0 =	sne.s32 s2, $0x0  }
0x1d1: {  	s3 =	rddreg [dreg:$0x2];
	[bflag:$0x3] =	sbarrier.arrive $0xFFFF;
	s2 =	simm.s32 @!p0 $0x1C04  }
0x1d2: {  	[timem:s3], [sflag:s2] =	dma.local @!p0 [hbm:s0], s1  }
0x1d3: {  	s0 =	simm.s32 @!p0 $0x4  }
0x1d4: {  	_ =	swait.ge @!p0 [sflag:s0], s1  }
0x1d5: {  	s1 =	ssub.s32 @!p0 $0x0, s1;
	[sflag:s0] =	ssyncset.done @!p0 $0x0  }
0x1d6: {  	[sflag:s0] =	ssyncadd.s32 @!p0 s1  }
0x1d7: {  	[bflag:$0x3] =	sbarrier.arrive $0xFFFF  }
0x1d8: {  	_ =	shalt  }

</sc_bundles>
